<compile_context>
chip_gen: v7x
topology: tpu7x:2x2x1
jax: 0.10.2.dev20260603
libtpu: 0.0.44.dev20260713+nightly
codegen_flags: <defaults>
</compile_context>

<pallas_src>
import functools

import jax
import jax.numpy as jnp
from jax import lax
from jax.experimental import pallas as pl
from jax.experimental.pallas import tpu as pltpu
from jax.experimental.pallas import tpu_sc as plsc

B = 32
D = 512
S = 1024
V = 512

NC = 2
NS = 16
ZR = 64


def _vals_kernel(ev_ref, mw1_ref, mb1_ref, mw2_ref, mb2_ref,
                 sw1_ref, sb1_ref, sw2_ref, sb2_ref,
                 marker_ref, smask_ref, tvmask_ref, tsmask_ref,
                 mapval_ref, stepval_ref):
    ev = ev_ref[...]
    h_map = jax.nn.gelu(jnp.dot(ev, mw1_ref[...],
                                preferred_element_type=jnp.float32)
                        + mb1_ref[...])
    h_step = jax.nn.gelu(jnp.dot(ev, sw1_ref[...],
                                 preferred_element_type=jnp.float32)
                         + sb1_ref[...])
    map_gain = lax.dot_general(mw2_ref[...], h_map,
                               (((1,), (1,)), ((), ())),
                               preferred_element_type=jnp.float32)
    step_gain = lax.dot_general(sw2_ref[...], h_step,
                                (((1,), (1,)), ((), ())),
                                preferred_element_type=jnp.float32)
    map_gain = map_gain + mb2_ref[...]
    step_gain = step_gain + sb2_ref[...]

    marker = marker_ref[...]
    smask = smask_ref[...]
    map_mask = (((marker == 1) | (marker == 2))
                & (smask != 0) & (tvmask_ref[...] != 0))
    step_mask = ((marker == 3) & (smask != 0) & (tsmask_ref[...] != 0))
    mapval_ref[...] = jax.nn.sigmoid(map_gain) * map_mask.astype(jnp.float32)
    stepval_ref[...] = jax.nn.sigmoid(step_gain) * step_mask.astype(jnp.float32)


def _sc_map_kernel(src_hbm, tval_hbm, val_hbm, out_hbm,
                   srcv, tvalv, valv, zbuf, buf16, idx16, sem, sem2):
    cid = lax.axis_index("c")
    sid = lax.axis_index("s")
    b = cid * NS + sid
    pltpu.sync_copy(src_hbm, srcv)
    pltpu.sync_copy(tval_hbm, tvalv)
    pltpu.sync_copy(val_hbm, valv)

    zeros16 = jnp.zeros((16,), jnp.float32)

    def _zero_body(i, carry):
        zbuf[pl.ds(i * 16, 16)] = zeros16
        return carry

    lax.fori_loop(0, ZR * V // 16, _zero_body, 0)

    copies = [
        pltpu.async_copy(zbuf, out_hbm.at[pl.ds((b * S + c * ZR) * V, ZR * V)],
                         sem)
        for c in range(S // ZR)
    ]
    for cp in copies:
        cp.wait()

    plsc.subcore_barrier()
    iota = lax.broadcasted_iota(jnp.int32, (16,), 0)
    for k in range(NC):
        @pl.when((cid == k) & (sid == 0))
        def _(k=k):
            t16 = tvalv[pl.ds(NS * k, 16)]
            v16 = valv[pl.ds(NS * k, 16)]
            s16 = srcv[pl.ds(NS * k, 16)]
            idx16[...] = ((iota + NS * k) * S + s16) * V + t16
            buf16[...] = v16
            pltpu.async_copy(buf16, out_hbm.at[idx16], sem2).wait()


_sc_map_call = pl.kernel(
    _sc_map_kernel,
    out_type=jax.ShapeDtypeStruct((B * S * V,), jnp.float32),
    mesh=plsc.VectorSubcoreMesh(core_axis_name="c", subcore_axis_name="s"),
    scratch_types=(
        pltpu.VMEM((B,), jnp.int32),
        pltpu.VMEM((B,), jnp.int32),
        pltpu.VMEM((B,), jnp.float32),
        pltpu.VMEM((ZR * V,), jnp.float32),
        pltpu.VMEM((16,), jnp.float32),
        pltpu.VMEM((16,), jnp.int32),
        pltpu.SemaphoreType.DMA,
        pltpu.SemaphoreType.DMA,
    ),
)


def _step_kernel(src_ref, tsym_ref, stepval_ref, stepout_ref):
    b = pl.program_id(0)
    src = src_ref[b]
    tsym = tsym_ref[b]
    lane = lax.broadcasted_iota(jnp.int32, (1, B), 1)
    sv = jnp.sum(jnp.where(lane == b, stepval_ref[...], 0.0))
    stepout_ref[...] = jnp.zeros((S, S), jnp.float32)
    col_s = lax.broadcasted_iota(jnp.int32, (1, S), 1)
    stepout_ref[pl.ds(src, 1), :] = jnp.where(col_s == tsym, sv, 0.0)


@jax.jit
def kernel(map_memory, step_memory, evidence, marker_id, source_idx,
           source_mask, target_symbol_idx, target_symbol_mask,
           target_value_idx, target_value_mask,
           map_W1, map_b1, map_W2, map_b2, step_W1, step_b1, step_W2, step_b2):
    del map_memory, step_memory

    row = lambda x: jnp.asarray(x).reshape(1, B)
    mapval, stepval = pl.pallas_call(
        _vals_kernel,
        out_shape=[jax.ShapeDtypeStruct((1, B), jnp.float32),
                   jax.ShapeDtypeStruct((1, B), jnp.float32)],
    )(evidence, map_W1, map_b1.reshape(1, D), map_W2.reshape(1, D),
      map_b2.reshape(1, 1), step_W1, step_b1.reshape(1, D),
      step_W2.reshape(1, D), step_b2.reshape(1, 1),
      row(marker_id.astype(jnp.int32)),
      row(source_mask.astype(jnp.int32)),
      row(target_value_mask.astype(jnp.int32)),
      row(target_symbol_mask.astype(jnp.int32)))

    src_i = source_idx.astype(jnp.int32)
    next_map = _sc_map_call(src_i, target_value_idx.astype(jnp.int32),
                            mapval.reshape(B)).reshape(B, S, V)

    grid_spec = pltpu.PrefetchScalarGridSpec(
        num_scalar_prefetch=2,
        grid=(B,),
        in_specs=[pl.BlockSpec((1, B), lambda i, *_: (0, 0))],
        out_specs=[pl.BlockSpec((None, S, S), lambda i, *_: (i, 0, 0))],
    )
    next_step, = pl.pallas_call(
        _step_kernel,
        grid_spec=grid_spec,
        out_shape=[jax.ShapeDtypeStruct((B, S, S), jnp.float32)],
    )(src_i, target_symbol_idx.astype(jnp.int32), stepval)
    return (next_map, next_step)

# --- scband reference (transcript-rebuilt; emitter-appended) ---
"""Pipeline reference for scband-graph-memory-update-36051955483059 (READ-ONLY COPY).

The authoritative reference and input builder live on the scoring server;
editing this copy changes nothing except your own understanding.
"""

import jax, jax.numpy as jnp
import numpy as np

B = 32
D = 512
S = 1024
V = 512


def setup_inputs(seed: int = 0) -> dict:
    key = jax.random.key(seed)
    ks = jax.random.split(key, 12)
    sc = 1.0 / np.sqrt(D)
    inp = {}
    inp["map_memory"] = jnp.zeros((B, S, V), dtype=jnp.float32)
    inp["step_memory"] = jnp.zeros((B, S, S), dtype=jnp.float32)
    inp["evidence"] = jax.random.normal(ks[0], (B, D), dtype=jnp.float32)
    inp["marker_id"] = jax.random.randint(ks[1], (B,), 0, 4)
    inp["source_idx"] = jax.random.randint(ks[2], (B,), 0, S)
    inp["source_mask"] = jax.random.randint(ks[3], (B,), 0, 2).astype(bool)
    inp["target_symbol_idx"] = jax.random.randint(ks[4], (B,), 0, S)
    inp["target_symbol_mask"] = jax.random.randint(ks[5], (B,), 0, 2).astype(bool)
    inp["target_value_idx"] = jax.random.randint(ks[6], (B,), 0, V)
    inp["target_value_mask"] = jax.random.randint(ks[7], (B,), 0, 2).astype(bool)
    inp["map_W1"] = jax.random.normal(ks[8], (D, D), dtype=jnp.float32) * sc
    inp["map_b1"] = jnp.zeros((D,), dtype=jnp.float32)
    inp["map_W2"] = jax.random.normal(ks[9], (D, 1), dtype=jnp.float32) * sc
    inp["map_b2"] = jnp.zeros((1,), dtype=jnp.float32)
    inp["step_W1"] = jax.random.normal(ks[10], (D, D), dtype=jnp.float32) * sc
    inp["step_b1"] = jnp.zeros((D,), dtype=jnp.float32)
    inp["step_W2"] = jax.random.normal(ks[11], (D, 1), dtype=jnp.float32) * sc
    inp["step_b2"] = jnp.zeros((1,), dtype=jnp.float32)
    return inp


def reference(map_memory, step_memory, evidence, marker_id, source_idx, source_mask,
              target_symbol_idx, target_symbol_mask, target_value_idx, target_value_mask,
              map_W1, map_b1, map_W2, map_b2, step_W1, step_b1, step_W2, step_b2):
    map_gain = jax.nn.gelu(evidence @ map_W1 + map_b1) @ map_W2 + map_b2
    step_gain = jax.nn.gelu(evidence @ step_W1 + step_b1) @ step_W2 + step_b2
    src_onehot = jax.nn.one_hot(source_idx, S, dtype=jnp.float32)
    target_symbol_onehot = jax.nn.one_hot(target_symbol_idx, S, dtype=jnp.float32)
    target_value_onehot = jax.nn.one_hot(target_value_idx, V, dtype=jnp.float32)
    map_mask = ((marker_id == 1) | (marker_id == 2)) & source_mask & target_value_mask
    step_mask = (marker_id == 3) & source_mask & target_symbol_mask
    map_update = jnp.einsum('bs,bv->bsv', src_onehot, target_value_onehot) * jax.nn.sigmoid(map_gain)[:, None, :]
    step_update = jnp.einsum('bs,bt->bst', src_onehot, target_symbol_onehot) * jax.nn.sigmoid(step_gain)[:, None, :]
    next_map = map_memory + map_update * map_mask[:, None, None]
    next_step = step_memory + step_update * step_mask[:, None, None]
    return (next_map, next_step)

if __name__ == "__main__":
    import jax
    _d = setup_inputs()
    print(jax.jit(kernel)(*tuple(_d.values())))

</pallas_src>

<mosaic_0001>
#map = affine_map<(d0, d1) -> (0)>
module attributes {stable_mosaic.version = 14 : i64} {
  func.func @_sc_map_kernel(%arg0: i32, %arg1: i32, %arg2: memref<32xi32, #tpu.memory_space<hbm>>, %arg3: memref<32xi32, #tpu.memory_space<hbm>>, %arg4: memref<32xf32, #tpu.memory_space<hbm>>, %arg5: memref<16777216xf32, #tpu.memory_space<hbm>>, %arg6: memref<32xi32, #tpu.memory_space<vmem>>, %arg7: memref<32xi32, #tpu.memory_space<vmem>>, %arg8: memref<32xf32, #tpu.memory_space<vmem>>, %arg9: memref<32768xf32, #tpu.memory_space<vmem>>, %arg10: memref<16xf32, #tpu.memory_space<vmem>>, %arg11: memref<16xi32, #tpu.memory_space<vmem>>, %arg12: memref<!tpu.dma_semaphore, #tpu.memory_space<semaphore_mem>>, %arg13: memref<!tpu.dma_semaphore, #tpu.memory_space<semaphore_mem>>) attributes {dimension_semantics = [#tpu.dimension_semantics<core_parallel>, #tpu.dimension_semantics<subcore_parallel>], iteration_bounds = array<i64: 2, 16>, scalar_prefetch = 0 : i64, scratch_operands = 8 : i64, tpu.core_type = #tpu.core_type<sc_vector_subcore>, window_params = [{transform_indices = #map}, {transform_indices = #map}, {transform_indices = #map}, {transform_indices = #map}]} {
    %mul3A = arith.constant 16 : i32
    %mul3A_0 = arith.muli %arg0, %mul3A : i32
    %add3A = arith.addi %mul3A_0, %arg1 : i32
    "tpu.region"() ({
      %run_scoped3A = tpu.sem_alloc : memref<!tpu.dma_semaphore, #tpu.memory_space<semaphore_mem>>
      tpu.enqueue_dma source(%arg2 : memref<32xi32, #tpu.memory_space<hbm>>) target(%arg6 : memref<32xi32, #tpu.memory_space<vmem>>) target_semaphore(%run_scoped3A : memref<!tpu.dma_semaphore, #tpu.memory_space<semaphore_mem>>)
      tpu.wait_dma2 semaphore(%run_scoped3A : memref<!tpu.dma_semaphore, #tpu.memory_space<semaphore_mem>>) src(%arg2 : memref<32xi32, #tpu.memory_space<hbm>>) dst(%arg6 : memref<32xi32, #tpu.memory_space<vmem>>)
      tpu.yield
    }) : () -> ()
    "tpu.region"() ({
      %run_scoped3A = tpu.sem_alloc : memref<!tpu.dma_semaphore, #tpu.memory_space<semaphore_mem>>
      tpu.enqueue_dma source(%arg3 : memref<32xi32, #tpu.memory_space<hbm>>) target(%arg7 : memref<32xi32, #tpu.memory_space<vmem>>) target_semaphore(%run_scoped3A : memref<!tpu.dma_semaphore, #tpu.memory_space<semaphore_mem>>)
      tpu.wait_dma2 semaphore(%run_scoped3A : memref<!tpu.dma_semaphore, #tpu.memory_space<semaphore_mem>>) src(%arg3 : memref<32xi32, #tpu.memory_space<hbm>>) dst(%arg7 : memref<32xi32, #tpu.memory_space<vmem>>)
      tpu.yield
    }) : () -> ()
    "tpu.region"() ({
      %run_scoped3A = tpu.sem_alloc : memref<!tpu.dma_semaphore, #tpu.memory_space<semaphore_mem>>
      tpu.enqueue_dma source(%arg4 : memref<32xf32, #tpu.memory_space<hbm>>) target(%arg8 : memref<32xf32, #tpu.memory_space<vmem>>) target_semaphore(%run_scoped3A : memref<!tpu.dma_semaphore, #tpu.memory_space<semaphore_mem>>)
      tpu.wait_dma2 semaphore(%run_scoped3A : memref<!tpu.dma_semaphore, #tpu.memory_space<semaphore_mem>>) src(%arg4 : memref<32xf32, #tpu.memory_space<hbm>>) dst(%arg8 : memref<32xf32, #tpu.memory_space<vmem>>)
      tpu.yield
    }) : () -> ()
    %broadcast_in_dim3A = arith.constant 0.000000e+00 : f32
    %broadcast_in_dim3A_1 = vector.broadcast %broadcast_in_dim3A : f32 to vector<16xf32>
    %scan3A = arith.constant 0 : i32
    %scan3A_2 = arith.constant 0 : i32
    %scan3A_3 = arith.constant 2048 : i32
    %scan3A_4 = arith.addi %scan3A_2, %scan3A_3 : i32
    %scan3A_5 = arith.constant 1 : i32
    scf.for %scan3A_177 = %scan3A_2 to %scan3A_4 step %scan3A_5  : i32 {
      %mul3A_178 = arith.constant 16 : i32
      %mul3A_179 = arith.muli %scan3A_177, %mul3A_178 : i32
      %swap3A = arith.index_cast %mul3A_179 : i32 to index
      %swap3A_180 = tpu.vector_load %arg9[%swap3A] {strides = array<i32>} : memref<32768xf32, #tpu.memory_space<vmem>>, vector<16xf32>,
      %swap3A_181 = vector.shape_cast %swap3A_180 : vector<16xf32> to vector<16xf32>
      %swap3A_182 = vector.shape_cast %broadcast_in_dim3A_1 : vector<16xf32> to vector<16xf32>
      tpu.vector_store %arg9[%swap3A], %swap3A_182 {strides = array<i32>} : memref<32768xf32, #tpu.memory_space<vmem>>, vector<16xf32>,
    }
    %scan3A_6 = arith.constant 2048 : i32
    %mul3A_7 = arith.constant 1024 : i32
    %mul3A_8 = arith.muli %add3A, %mul3A_7 : i32
    %add3A_9 = arith.constant 0 : i32
    %add3A_10 = arith.addi %mul3A_8, %add3A_9 : i32
    %mul3A_11 = arith.constant 512 : i32
    %mul3A_12 = arith.muli %add3A_10, %mul3A_11 : i32
    %dma_start3A = tpu.memref_slice %arg5[%mul3A_12] : memref<16777216xf32, #tpu.memory_space<hbm>> -> memref<32768xf32, #tpu.memory_space<hbm>>
    %dma_start3A_13 = tpu.memref_slice %arg5[%mul3A_12] : memref<16777216xf32, #tpu.memory_space<hbm>> -> memref<32768xf32, #tpu.memory_space<hbm>>
    tpu.enqueue_dma source(%arg9 : memref<32768xf32, #tpu.memory_space<vmem>>) target(%dma_start3A_13 : memref<32768xf32, #tpu.memory_space<hbm>>) target_semaphore(%arg12 : memref<!tpu.dma_semaphore, #tpu.memory_space<semaphore_mem>>)
    %mul3A_14 = arith.constant 1024 : i32
    %mul3A_15 = arith.muli %add3A, %mul3A_14 : i32
    %add3A_16 = arith.constant 64 : i32
    %add3A_17 = arith.addi %mul3A_15, %add3A_16 : i32
    %mul3A_18 = arith.constant 512 : i32
    %mul3A_19 = arith.muli %add3A_17, %mul3A_18 : i32
    %dma_start3A_20 = tpu.memref_slice %arg5[%mul3A_19] : memref<16777216xf32, #tpu.memory_space<hbm>> -> memref<32768xf32, #tpu.memory_space<hbm>>
    %dma_start3A_21 = tpu.memref_slice %arg5[%mul3A_19] : memref<16777216xf32, #tpu.memory_space<hbm>> -> memref<32768xf32, #tpu.memory_space<hbm>>
    tpu.enqueue_dma source(%arg9 : memref<32768xf32, #tpu.memory_space<vmem>>) target(%dma_start3A_21 : memref<32768xf32, #tpu.memory_space<hbm>>) target_semaphore(%arg12 : memref<!tpu.dma_semaphore, #tpu.memory_space<semaphore_mem>>)
    %mul3A_22 = arith.constant 1024 : i32
    %mul3A_23 = arith.muli %add3A, %mul3A_22 : i32
    %add3A_24 = arith.constant 128 : i32
    %add3A_25 = arith.addi %mul3A_23, %add3A_24 : i32
    %mul3A_26 = arith.constant 512 : i32
    %mul3A_27 = arith.muli %add3A_25, %mul3A_26 : i32
    %dma_start3A_28 = tpu.memref_slice %arg5[%mul3A_27] : memref<16777216xf32, #tpu.memory_space<hbm>> -> memref<32768xf32, #tpu.memory_space<hbm>>
    %dma_start3A_29 = tpu.memref_slice %arg5[%mul3A_27] : memref<16777216xf32, #tpu.memory_space<hbm>> -> memref<32768xf32, #tpu.memory_space<hbm>>
    tpu.enqueue_dma source(%arg9 : memref<32768xf32, #tpu.memory_space<vmem>>) target(%dma_start3A_29 : memref<32768xf32, #tpu.memory_space<hbm>>) target_semaphore(%arg12 : memref<!tpu.dma_semaphore, #tpu.memory_space<semaphore_mem>>)
    %mul3A_30 = arith.constant 1024 : i32
    %mul3A_31 = arith.muli %add3A, %mul3A_30 : i32
    %add3A_32 = arith.constant 192 : i32
    %add3A_33 = arith.addi %mul3A_31, %add3A_32 : i32
    %mul3A_34 = arith.constant 512 : i32
    %mul3A_35 = arith.muli %add3A_33, %mul3A_34 : i32
    %dma_start3A_36 = tpu.memref_slice %arg5[%mul3A_35] : memref<16777216xf32, #tpu.memory_space<hbm>> -> memref<32768xf32, #tpu.memory_space<hbm>>
    %dma_start3A_37 = tpu.memref_slice %arg5[%mul3A_35] : memref<16777216xf32, #tpu.memory_space<hbm>> -> memref<32768xf32, #tpu.memory_space<hbm>>
    tpu.enqueue_dma source(%arg9 : memref<32768xf32, #tpu.memory_space<vmem>>) target(%dma_start3A_37 : memref<32768xf32, #tpu.memory_space<hbm>>) target_semaphore(%arg12 : memref<!tpu.dma_semaphore, #tpu.memory_space<semaphore_mem>>)
    %mul3A_38 = arith.constant 1024 : i32
    %mul3A_39 = arith.muli %add3A, %mul3A_38 : i32
    %add3A_40 = arith.constant 256 : i32
    %add3A_41 = arith.addi %mul3A_39, %add3A_40 : i32
    %mul3A_42 = arith.constant 512 : i32
    %mul3A_43 = arith.muli %add3A_41, %mul3A_42 : i32
    %dma_start3A_44 = tpu.memref_slice %arg5[%mul3A_43] : memref<16777216xf32, #tpu.memory_space<hbm>> -> memref<32768xf32, #tpu.memory_space<hbm>>
    %dma_start3A_45 = tpu.memref_slice %arg5[%mul3A_43] : memref<16777216xf32, #tpu.memory_space<hbm>> -> memref<32768xf32, #tpu.memory_space<hbm>>
    tpu.enqueue_dma source(%arg9 : memref<32768xf32, #tpu.memory_space<vmem>>) target(%dma_start3A_45 : memref<32768xf32, #tpu.memory_space<hbm>>) target_semaphore(%arg12 : memref<!tpu.dma_semaphore, #tpu.memory_space<semaphore_mem>>)
    %mul3A_46 = arith.constant 1024 : i32
    %mul3A_47 = arith.muli %add3A, %mul3A_46 : i32
    %add3A_48 = arith.constant 320 : i32
    %add3A_49 = arith.addi %mul3A_47, %add3A_48 : i32
    %mul3A_50 = arith.constant 512 : i32
    %mul3A_51 = arith.muli %add3A_49, %mul3A_50 : i32
    %dma_start3A_52 = tpu.memref_slice %arg5[%mul3A_51] : memref<16777216xf32, #tpu.memory_space<hbm>> -> memref<32768xf32, #tpu.memory_space<hbm>>
    %dma_start3A_53 = tpu.memref_slice %arg5[%mul3A_51] : memref<16777216xf32, #tpu.memory_space<hbm>> -> memref<32768xf32, #tpu.memory_space<hbm>>
    tpu.enqueue_dma source(%arg9 : memref<32768xf32, #tpu.memory_space<vmem>>) target(%dma_start3A_53 : memref<32768xf32, #tpu.memory_space<hbm>>) target_semaphore(%arg12 : memref<!tpu.dma_semaphore, #tpu.memory_space<semaphore_mem>>)
    %mul3A_54 = arith.constant 1024 : i32
    %mul3A_55 = arith.muli %add3A, %mul3A_54 : i32
    %add3A_56 = arith.constant 384 : i32
    %add3A_57 = arith.addi %mul3A_55, %add3A_56 : i32
    %mul3A_58 = arith.constant 512 : i32
    %mul3A_59 = arith.muli %add3A_57, %mul3A_58 : i32
    %dma_start3A_60 = tpu.memref_slice %arg5[%mul3A_59] : memref<16777216xf32, #tpu.memory_space<hbm>> -> memref<32768xf32, #tpu.memory_space<hbm>>
    %dma_start3A_61 = tpu.memref_slice %arg5[%mul3A_59] : memref<16777216xf32, #tpu.memory_space<hbm>> -> memref<32768xf32, #tpu.memory_space<hbm>>
    tpu.enqueue_dma source(%arg9 : memref<32768xf32, #tpu.memory_space<vmem>>) target(%dma_start3A_61 : memref<32768xf32, #tpu.memory_space<hbm>>) target_semaphore(%arg12 : memref<!tpu.dma_semaphore, #tpu.memory_space<semaphore_mem>>)
    %mul3A_62 = arith.constant 1024 : i32
    %mul3A_63 = arith.muli %add3A, %mul3A_62 : i32
    %add3A_64 = arith.constant 448 : i32
    %add3A_65 = arith.addi %mul3A_63, %add3A_64 : i32
    %mul3A_66 = arith.constant 512 : i32
    %mul3A_67 = arith.muli %add3A_65, %mul3A_66 : i32
    %dma_start3A_68 = tpu.memref_slice %arg5[%mul3A_67] : memref<16777216xf32, #tpu.memory_space<hbm>> -> memref<32768xf32, #tpu.memory_space<hbm>>
    %dma_start3A_69 = tpu.memref_slice %arg5[%mul3A_67] : memref<16777216xf32, #tpu.memory_space<hbm>> -> memref<32768xf32, #tpu.memory_space<hbm>>
    tpu.enqueue_dma source(%arg9 : memref<32768xf32, #tpu.memory_space<vmem>>) target(%dma_start3A_69 : memref<32768xf32, #tpu.memory_space<hbm>>) target_semaphore(%arg12 : memref<!tpu.dma_semaphore, #tpu.memory_space<semaphore_mem>>)
    %mul3A_70 = arith.constant 1024 : i32
    %mul3A_71 = arith.muli %add3A, %mul3A_70 : i32
    %add3A_72 = arith.constant 512 : i32
    %add3A_73 = arith.addi %mul3A_71, %add3A_72 : i32
    %mul3A_74 = arith.constant 512 : i32
    %mul3A_75 = arith.muli %add3A_73, %mul3A_74 : i32
    %dma_start3A_76 = tpu.memref_slice %arg5[%mul3A_75] : memref<16777216xf32, #tpu.memory_space<hbm>> -> memref<32768xf32, #tpu.memory_space<hbm>>
    %dma_start3A_77 = tpu.memref_slice %arg5[%mul3A_75] : memref<16777216xf32, #tpu.memory_space<hbm>> -> memref<32768xf32, #tpu.memory_space<hbm>>
    tpu.enqueue_dma source(%arg9 : memref<32768xf32, #tpu.memory_space<vmem>>) target(%dma_start3A_77 : memref<32768xf32, #tpu.memory_space<hbm>>) target_semaphore(%arg12 : memref<!tpu.dma_semaphore, #tpu.memory_space<semaphore_mem>>)
    %mul3A_78 = arith.constant 1024 : i32
    %mul3A_79 = arith.muli %add3A, %mul3A_78 : i32
    %add3A_80 = arith.constant 576 : i32
    %add3A_81 = arith.addi %mul3A_79, %add3A_80 : i32
    %mul3A_82 = arith.constant 512 : i32
    %mul3A_83 = arith.muli %add3A_81, %mul3A_82 : i32
    %dma_start3A_84 = tpu.memref_slice %arg5[%mul3A_83] : memref<16777216xf32, #tpu.memory_space<hbm>> -> memref<32768xf32, #tpu.memory_space<hbm>>
    %dma_start3A_85 = tpu.memref_slice %arg5[%mul3A_83] : memref<16777216xf32, #tpu.memory_space<hbm>> -> memref<32768xf32, #tpu.memory_space<hbm>>
    tpu.enqueue_dma source(%arg9 : memref<32768xf32, #tpu.memory_space<vmem>>) target(%dma_start3A_85 : memref<32768xf32, #tpu.memory_space<hbm>>) target_semaphore(%arg12 : memref<!tpu.dma_semaphore, #tpu.memory_space<semaphore_mem>>)
    %mul3A_86 = arith.constant 1024 : i32
    %mul3A_87 = arith.muli %add3A, %mul3A_86 : i32
    %add3A_88 = arith.constant 640 : i32
    %add3A_89 = arith.addi %mul3A_87, %add3A_88 : i32
    %mul3A_90 = arith.constant 512 : i32
    %mul3A_91 = arith.muli %add3A_89, %mul3A_90 : i32
    %dma_start3A_92 = tpu.memref_slice %arg5[%mul3A_91] : memref<16777216xf32, #tpu.memory_space<hbm>> -> memref<32768xf32, #tpu.memory_space<hbm>>
    %dma_start3A_93 = tpu.memref_slice %arg5[%mul3A_91] : memref<16777216xf32, #tpu.memory_space<hbm>> -> memref<32768xf32, #tpu.memory_space<hbm>>
    tpu.enqueue_dma source(%arg9 : memref<32768xf32, #tpu.memory_space<vmem>>) target(%dma_start3A_93 : memref<32768xf32, #tpu.memory_space<hbm>>) target_semaphore(%arg12 : memref<!tpu.dma_semaphore, #tpu.memory_space<semaphore_mem>>)
    %mul3A_94 = arith.constant 1024 : i32
    %mul3A_95 = arith.muli %add3A, %mul3A_94 : i32
    %add3A_96 = arith.constant 704 : i32
    %add3A_97 = arith.addi %mul3A_95, %add3A_96 : i32
    %mul3A_98 = arith.constant 512 : i32
    %mul3A_99 = arith.muli %add3A_97, %mul3A_98 : i32
    %dma_start3A_100 = tpu.memref_slice %arg5[%mul3A_99] : memref<16777216xf32, #tpu.memory_space<hbm>> -> memref<32768xf32, #tpu.memory_space<hbm>>
    %dma_start3A_101 = tpu.memref_slice %arg5[%mul3A_99] : memref<16777216xf32, #tpu.memory_space<hbm>> -> memref<32768xf32, #tpu.memory_space<hbm>>
    tpu.enqueue_dma source(%arg9 : memref<32768xf32, #tpu.memory_space<vmem>>) target(%dma_start3A_101 : memref<32768xf32, #tpu.memory_space<hbm>>) target_semaphore(%arg12 : memref<!tpu.dma_semaphore, #tpu.memory_space<semaphore_mem>>)
    %mul3A_102 = arith.constant 1024 : i32
    %mul3A_103 = arith.muli %add3A, %mul3A_102 : i32
    %add3A_104 = arith.constant 768 : i32
    %add3A_105 = arith.addi %mul3A_103, %add3A_104 : i32
    %mul3A_106 = arith.constant 512 : i32
    %mul3A_107 = arith.muli %add3A_105, %mul3A_106 : i32
    %dma_start3A_108 = tpu.memref_slice %arg5[%mul3A_107] : memref<16777216xf32, #tpu.memory_space<hbm>> -> memref<32768xf32, #tpu.memory_space<hbm>>
    %dma_start3A_109 = tpu.memref_slice %arg5[%mul3A_107] : memref<16777216xf32, #tpu.memory_space<hbm>> -> memref<32768xf32, #tpu.memory_space<hbm>>
    tpu.enqueue_dma source(%arg9 : memref<32768xf32, #tpu.memory_space<vmem>>) target(%dma_start3A_109 : memref<32768xf32, #tpu.memory_space<hbm>>) target_semaphore(%arg12 : memref<!tpu.dma_semaphore, #tpu.memory_space<semaphore_mem>>)
    %mul3A_110 = arith.constant 1024 : i32
    %mul3A_111 = arith.muli %add3A, %mul3A_110 : i32
    %add3A_112 = arith.constant 832 : i32
    %add3A_113 = arith.addi %mul3A_111, %add3A_112 : i32
    %mul3A_114 = arith.constant 512 : i32
    %mul3A_115 = arith.muli %add3A_113, %mul3A_114 : i32
    %dma_start3A_116 = tpu.memref_slice %arg5[%mul3A_115] : memref<16777216xf32, #tpu.memory_space<hbm>> -> memref<32768xf32, #tpu.memory_space<hbm>>
    %dma_start3A_117 = tpu.memref_slice %arg5[%mul3A_115] : memref<16777216xf32, #tpu.memory_space<hbm>> -> memref<32768xf32, #tpu.memory_space<hbm>>
    tpu.enqueue_dma source(%arg9 : memref<32768xf32, #tpu.memory_space<vmem>>) target(%dma_start3A_117 : memref<32768xf32, #tpu.memory_space<hbm>>) target_semaphore(%arg12 : memref<!tpu.dma_semaphore, #tpu.memory_space<semaphore_mem>>)
    %mul3A_118 = arith.constant 1024 : i32
    %mul3A_119 = arith.muli %add3A, %mul3A_118 : i32
    %add3A_120 = arith.constant 896 : i32
    %add3A_121 = arith.addi %mul3A_119, %add3A_120 : i32
    %mul3A_122 = arith.constant 512 : i32
    %mul3A_123 = arith.muli %add3A_121, %mul3A_122 : i32
    %dma_start3A_124 = tpu.memref_slice %arg5[%mul3A_123] : memref<16777216xf32, #tpu.memory_space<hbm>> -> memref<32768xf32, #tpu.memory_space<hbm>>
    %dma_start3A_125 = tpu.memref_slice %arg5[%mul3A_123] : memref<16777216xf32, #tpu.memory_space<hbm>> -> memref<32768xf32, #tpu.memory_space<hbm>>
    tpu.enqueue_dma source(%arg9 : memref<32768xf32, #tpu.memory_space<vmem>>) target(%dma_start3A_125 : memref<32768xf32, #tpu.memory_space<hbm>>) target_semaphore(%arg12 : memref<!tpu.dma_semaphore, #tpu.memory_space<semaphore_mem>>)
    %mul3A_126 = arith.constant 1024 : i32
    %mul3A_127 = arith.muli %add3A, %mul3A_126 : i32
    %add3A_128 = arith.constant 960 : i32
    %add3A_129 = arith.addi %mul3A_127, %add3A_128 : i32
    %mul3A_130 = arith.constant 512 : i32
    %mul3A_131 = arith.muli %add3A_129, %mul3A_130 : i32
    %dma_start3A_132 = tpu.memref_slice %arg5[%mul3A_131] : memref<16777216xf32, #tpu.memory_space<hbm>> -> memref<32768xf32, #tpu.memory_space<hbm>>
    %dma_start3A_133 = tpu.memref_slice %arg5[%mul3A_131] : memref<16777216xf32, #tpu.memory_space<hbm>> -> memref<32768xf32, #tpu.memory_space<hbm>>
    tpu.enqueue_dma source(%arg9 : memref<32768xf32, #tpu.memory_space<vmem>>) target(%dma_start3A_133 : memref<32768xf32, #tpu.memory_space<hbm>>) target_semaphore(%arg12 : memref<!tpu.dma_semaphore, #tpu.memory_space<semaphore_mem>>)
    %dma_wait3A = tpu.memref_slice %arg5[%mul3A_12] : memref<16777216xf32, #tpu.memory_space<hbm>> -> memref<32768xf32, #tpu.memory_space<hbm>>
    %dma_wait3A_134 = tpu.memref_slice %arg5[%mul3A_12] : memref<16777216xf32, #tpu.memory_space<hbm>> -> memref<32768xf32, #tpu.memory_space<hbm>>
    tpu.wait_dma2 semaphore(%arg12 : memref<!tpu.dma_semaphore, #tpu.memory_space<semaphore_mem>>) src(%arg9 : memref<32768xf32, #tpu.memory_space<vmem>>) dst(%dma_wait3A_134 : memref<32768xf32, #tpu.memory_space<hbm>>)
    %dma_wait3A_135 = tpu.memref_slice %arg5[%mul3A_19] : memref<16777216xf32, #tpu.memory_space<hbm>> -> memref<32768xf32, #tpu.memory_space<hbm>>
    %dma_wait3A_136 = tpu.memref_slice %arg5[%mul3A_19] : memref<16777216xf32, #tpu.memory_space<hbm>> -> memref<32768xf32, #tpu.memory_space<hbm>>
    tpu.wait_dma2 semaphore(%arg12 : memref<!tpu.dma_semaphore, #tpu.memory_space<semaphore_mem>>) src(%arg9 : memref<32768xf32, #tpu.memory_space<vmem>>) dst(%dma_wait3A_136 : memref<32768xf32, #tpu.memory_space<hbm>>)
    %dma_wait3A_137 = tpu.memref_slice %arg5[%mul3A_27] : memref<16777216xf32, #tpu.memory_space<hbm>> -> memref<32768xf32, #tpu.memory_space<hbm>>
    %dma_wait3A_138 = tpu.memref_slice %arg5[%mul3A_27] : memref<16777216xf32, #tpu.memory_space<hbm>> -> memref<32768xf32, #tpu.memory_space<hbm>>
    tpu.wait_dma2 semaphore(%arg12 : memref<!tpu.dma_semaphore, #tpu.memory_space<semaphore_mem>>) src(%arg9 : memref<32768xf32, #tpu.memory_space<vmem>>) dst(%dma_wait3A_138 : memref<32768xf32, #tpu.memory_space<hbm>>)
    %dma_wait3A_139 = tpu.memref_slice %arg5[%mul3A_35] : memref<16777216xf32, #tpu.memory_space<hbm>> -> memref<32768xf32, #tpu.memory_space<hbm>>
    %dma_wait3A_140 = tpu.memref_slice %arg5[%mul3A_35] : memref<16777216xf32, #tpu.memory_space<hbm>> -> memref<32768xf32, #tpu.memory_space<hbm>>
    tpu.wait_dma2 semaphore(%arg12 : memref<!tpu.dma_semaphore, #tpu.memory_space<semaphore_mem>>) src(%arg9 : memref<32768xf32, #tpu.memory_space<vmem>>) dst(%dma_wait3A_140 : memref<32768xf32, #tpu.memory_space<hbm>>)
    %dma_wait3A_141 = tpu.memref_slice %arg5[%mul3A_43] : memref<16777216xf32, #tpu.memory_space<hbm>> -> memref<32768xf32, #tpu.memory_space<hbm>>
    %dma_wait3A_142 = tpu.memref_slice %arg5[%mul3A_43] : memref<16777216xf32, #tpu.memory_space<hbm>> -> memref<32768xf32, #tpu.memory_space<hbm>>
    tpu.wait_dma2 semaphore(%arg12 : memref<!tpu.dma_semaphore, #tpu.memory_space<semaphore_mem>>) src(%arg9 : memref<32768xf32, #tpu.memory_space<vmem>>) dst(%dma_wait3A_142 : memref<32768xf32, #tpu.memory_space<hbm>>)
    %dma_wait3A_143 = tpu.memref_slice %arg5[%mul3A_51] : memref<16777216xf32, #tpu.memory_space<hbm>> -> memref<32768xf32, #tpu.memory_space<hbm>>
    %dma_wait3A_144 = tpu.memref_slice %arg5[%mul3A_51] : memref<16777216xf32, #tpu.memory_space<hbm>> -> memref<32768xf32, #tpu.memory_space<hbm>>
    tpu.wait_dma2 semaphore(%arg12 : memref<!tpu.dma_semaphore, #tpu.memory_space<semaphore_mem>>) src(%arg9 : memref<32768xf32, #tpu.memory_space<vmem>>) dst(%dma_wait3A_144 : memref<32768xf32, #tpu.memory_space<hbm>>)
    %dma_wait3A_145 = tpu.memref_slice %arg5[%mul3A_59] : memref<16777216xf32, #tpu.memory_space<hbm>> -> memref<32768xf32, #tpu.memory_space<hbm>>
    %dma_wait3A_146 = tpu.memref_slice %arg5[%mul3A_59] : memref<16777216xf32, #tpu.memory_space<hbm>> -> memref<32768xf32, #tpu.memory_space<hbm>>
    tpu.wait_dma2 semaphore(%arg12 : memref<!tpu.dma_semaphore, #tpu.memory_space<semaphore_mem>>) src(%arg9 : memref<32768xf32, #tpu.memory_space<vmem>>) dst(%dma_wait3A_146 : memref<32768xf32, #tpu.memory_space<hbm>>)
    %dma_wait3A_147 = tpu.memref_slice %arg5[%mul3A_67] : memref<16777216xf32, #tpu.memory_space<hbm>> -> memref<32768xf32, #tpu.memory_space<hbm>>
    %dma_wait3A_148 = tpu.memref_slice %arg5[%mul3A_67] : memref<16777216xf32, #tpu.memory_space<hbm>> -> memref<32768xf32, #tpu.memory_space<hbm>>
    tpu.wait_dma2 semaphore(%arg12 : memref<!tpu.dma_semaphore, #tpu.memory_space<semaphore_mem>>) src(%arg9 : memref<32768xf32, #tpu.memory_space<vmem>>) dst(%dma_wait3A_148 : memref<32768xf32, #tpu.memory_space<hbm>>)
    %dma_wait3A_149 = tpu.memref_slice %arg5[%mul3A_75] : memref<16777216xf32, #tpu.memory_space<hbm>> -> memref<32768xf32, #tpu.memory_space<hbm>>
    %dma_wait3A_150 = tpu.memref_slice %arg5[%mul3A_75] : memref<16777216xf32, #tpu.memory_space<hbm>> -> memref<32768xf32, #tpu.memory_space<hbm>>
    tpu.wait_dma2 semaphore(%arg12 : memref<!tpu.dma_semaphore, #tpu.memory_space<semaphore_mem>>) src(%arg9 : memref<32768xf32, #tpu.memory_space<vmem>>) dst(%dma_wait3A_150 : memref<32768xf32, #tpu.memory_space<hbm>>)
    %dma_wait3A_151 = tpu.memref_slice %arg5[%mul3A_83] : memref<16777216xf32, #tpu.memory_space<hbm>> -> memref<32768xf32, #tpu.memory_space<hbm>>
    %dma_wait3A_152 = tpu.memref_slice %arg5[%mul3A_83] : memref<16777216xf32, #tpu.memory_space<hbm>> -> memref<32768xf32, #tpu.memory_space<hbm>>
    tpu.wait_dma2 semaphore(%arg12 : memref<!tpu.dma_semaphore, #tpu.memory_space<semaphore_mem>>) src(%arg9 : memref<32768xf32, #tpu.memory_space<vmem>>) dst(%dma_wait3A_152 : memref<32768xf32, #tpu.memory_space<hbm>>)
    %dma_wait3A_153 = tpu.memref_slice %arg5[%mul3A_91] : memref<16777216xf32, #tpu.memory_space<hbm>> -> memref<32768xf32, #tpu.memory_space<hbm>>
    %dma_wait3A_154 = tpu.memref_slice %arg5[%mul3A_91] : memref<16777216xf32, #tpu.memory_space<hbm>> -> memref<32768xf32, #tpu.memory_space<hbm>>
    tpu.wait_dma2 semaphore(%arg12 : memref<!tpu.dma_semaphore, #tpu.memory_space<semaphore_mem>>) src(%arg9 : memref<32768xf32, #tpu.memory_space<vmem>>) dst(%dma_wait3A_154 : memref<32768xf32, #tpu.memory_space<hbm>>)
    %dma_wait3A_155 = tpu.memref_slice %arg5[%mul3A_99] : memref<16777216xf32, #tpu.memory_space<hbm>> -> memref<32768xf32, #tpu.memory_space<hbm>>
    %dma_wait3A_156 = tpu.memref_slice %arg5[%mul3A_99] : memref<16777216xf32, #tpu.memory_space<hbm>> -> memref<32768xf32, #tpu.memory_space<hbm>>
    tpu.wait_dma2 semaphore(%arg12 : memref<!tpu.dma_semaphore, #tpu.memory_space<semaphore_mem>>) src(%arg9 : memref<32768xf32, #tpu.memory_space<vmem>>) dst(%dma_wait3A_156 : memref<32768xf32, #tpu.memory_space<hbm>>)
    %dma_wait3A_157 = tpu.memref_slice %arg5[%mul3A_107] : memref<16777216xf32, #tpu.memory_space<hbm>> -> memref<32768xf32, #tpu.memory_space<hbm>>
    %dma_wait3A_158 = tpu.memref_slice %arg5[%mul3A_107] : memref<16777216xf32, #tpu.memory_space<hbm>> -> memref<32768xf32, #tpu.memory_space<hbm>>
    tpu.wait_dma2 semaphore(%arg12 : memref<!tpu.dma_semaphore, #tpu.memory_space<semaphore_mem>>) src(%arg9 : memref<32768xf32, #tpu.memory_space<vmem>>) dst(%dma_wait3A_158 : memref<32768xf32, #tpu.memory_space<hbm>>)
    %dma_wait3A_159 = tpu.memref_slice %arg5[%mul3A_115] : memref<16777216xf32, #tpu.memory_space<hbm>> -> memref<32768xf32, #tpu.memory_space<hbm>>
    %dma_wait3A_160 = tpu.memref_slice %arg5[%mul3A_115] : memref<16777216xf32, #tpu.memory_space<hbm>> -> memref<32768xf32, #tpu.memory_space<hbm>>
    tpu.wait_dma2 semaphore(%arg12 : memref<!tpu.dma_semaphore, #tpu.memory_space<semaphore_mem>>) src(%arg9 : memref<32768xf32, #tpu.memory_space<vmem>>) dst(%dma_wait3A_160 : memref<32768xf32, #tpu.memory_space<hbm>>)
    %dma_wait3A_161 = tpu.memref_slice %arg5[%mul3A_123] : memref<16777216xf32, #tpu.memory_space<hbm>> -> memref<32768xf32, #tpu.memory_space<hbm>>
    %dma_wait3A_162 = tpu.memref_slice %arg5[%mul3A_123] : memref<16777216xf32, #tpu.memory_space<hbm>> -> memref<32768xf32, #tpu.memory_space<hbm>>
    tpu.wait_dma2 semaphore(%arg12 : memref<!tpu.dma_semaphore, #tpu.memory_space<semaphore_mem>>) src(%arg9 : memref<32768xf32, #tpu.memory_space<vmem>>) dst(%dma_wait3A_162 : memref<32768xf32, #tpu.memory_space<hbm>>)
    %dma_wait3A_163 = tpu.memref_slice %arg5[%mul3A_131] : memref<16777216xf32, #tpu.memory_space<hbm>> -> memref<32768xf32, #tpu.memory_space<hbm>>
    %dma_wait3A_164 = tpu.memref_slice %arg5[%mul3A_131] : memref<16777216xf32, #tpu.memory_space<hbm>> -> memref<32768xf32, #tpu.memory_space<hbm>>
    tpu.wait_dma2 semaphore(%arg12 : memref<!tpu.dma_semaphore, #tpu.memory_space<semaphore_mem>>) src(%arg9 : memref<32768xf32, #tpu.memory_space<vmem>>) dst(%dma_wait3A_164 : memref<32768xf32, #tpu.memory_space<hbm>>)
    %barrier3A = arith.constant 0 : index
    tpu.barrier barrier_id(%barrier3A)
    %iota3A = tpu.iota {dimensions = array<i32: 0>} : vector<16xi32>
    %eq3A = arith.constant 0 : i32
    %eq3A_165 = arith.cmpi eq, %arg0, %eq3A : i32
    %eq3A_166 = arith.constant 0 : i32
    %eq3A_167 = arith.cmpi eq, %arg1, %eq3A_166 : i32
    %and3A = arith.andi %eq3A_165, %eq3A_167 : i1
    %convert_element_type3A = arith.extui %and3A : i1 to i32
    %cond3A = arith.constant 0 : i32
    %cond3A_168 = arith.cmpi ne, %convert_element_type3A, %cond3A : i32
    scf.if %cond3A_168 {
      %get3A = arith.constant 0 : index
      %get3A_177 = tpu.vector_load %arg7[%get3A] {strides = array<i32>} : memref<32xi32, #tpu.memory_space<vmem>>, vector<16xi32>,
      %get3A_178 = vector.shape_cast %get3A_177 : vector<16xi32> to vector<16xi32>
      %get3A_179 = arith.constant 0 : index
      %get3A_180 = tpu.vector_load %arg8[%get3A_179] {strides = array<i32>} : memref<32xf32, #tpu.memory_space<vmem>>, vector<16xf32>,
      %get3A_181 = vector.shape_cast %get3A_180 : vector<16xf32> to vector<16xf32>
      %get3A_182 = arith.constant 0 : index
      %get3A_183 = tpu.vector_load %arg6[%get3A_182] {strides = array<i32>} : memref<32xi32, #tpu.memory_space<vmem>>, vector<16xi32>,
      %get3A_184 = vector.shape_cast %get3A_183 : vector<16xi32> to vector<16xi32>
      %add3A_185 = arith.constant 0 : i32
      %add3A_186 = vector.broadcast %add3A_185 : i32 to vector<16xi32>
      %add3A_187 = arith.addi %iota3A, %add3A_186 : vector<16xi32>
      %mul3A_188 = arith.constant 1024 : i32
      %mul3A_189 = vector.broadcast %mul3A_188 : i32 to vector<16xi32>
      %mul3A_190 = arith.muli %add3A_187, %mul3A_189 : vector<16xi32>
      %add3A_191 = arith.addi %mul3A_190, %get3A_184 : vector<16xi32>
      %mul3A_192 = arith.constant 512 : i32
      %mul3A_193 = vector.broadcast %mul3A_192 : i32 to vector<16xi32>
      %mul3A_194 = arith.muli %add3A_191, %mul3A_193 : vector<16xi32>
      %add3A_195 = arith.addi %mul3A_194, %get3A_178 : vector<16xi32>
      %swap3A = arith.constant 0 : index
      %swap3A_196 = tpu.vector_load %arg11[%swap3A] {strides = array<i32>} : memref<16xi32, #tpu.memory_space<vmem>>, vector<16xi32>,
      %swap3A_197 = vector.shape_cast %swap3A_196 : vector<16xi32> to vector<16xi32>
      %swap3A_198 = vector.shape_cast %add3A_195 : vector<16xi32> to vector<16xi32>
      tpu.vector_store %arg11[%swap3A], %swap3A_198 {strides = array<i32>} : memref<16xi32, #tpu.memory_space<vmem>>, vector<16xi32>,
      %swap3A_199 = arith.constant 0 : index
      %swap3A_200 = tpu.vector_load %arg10[%swap3A_199] {strides = array<i32>} : memref<16xf32, #tpu.memory_space<vmem>>, vector<16xf32>,
      %swap3A_201 = vector.shape_cast %swap3A_200 : vector<16xf32> to vector<16xf32>
      %swap3A_202 = vector.shape_cast %get3A_181 : vector<16xf32> to vector<16xf32>
      tpu.vector_store %arg10[%swap3A_199], %swap3A_202 {strides = array<i32>} : memref<16xf32, #tpu.memory_space<vmem>>, vector<16xf32>,
      %dma_start3A_203 = arith.constant 0 : i32
      %dma_start3A_204 = tpu.memref_slice %arg5[%dma_start3A_203] : memref<16777216xf32, #tpu.memory_space<hbm>> -> memref<16777216xf32, #tpu.memory_space<hbm>>
      tpu.enqueue_indirect_dma source(%arg10 : memref<16xf32, #tpu.memory_space<vmem>>) target(%dma_start3A_204 : memref<16777216xf32, #tpu.memory_space<hbm>>) offsets(%arg11 : memref<16xi32, #tpu.memory_space<vmem>>) semaphore(%arg13 : memref<!tpu.dma_semaphore, #tpu.memory_space<semaphore_mem>>)
      %dma_wait3A_205 = arith.constant 0 : i32
      %dma_wait3A_206 = tpu.memref_slice %arg5[%dma_wait3A_205] : memref<16777216xf32, #tpu.memory_space<hbm>> -> memref<16777216xf32, #tpu.memory_space<hbm>>
      tpu.wait_indirect_dma semaphore(%arg13 : memref<!tpu.dma_semaphore, #tpu.memory_space<semaphore_mem>>) src(%arg10 : memref<16xf32, #tpu.memory_space<vmem>>) dst(%dma_wait3A_206 : memref<16777216xf32, #tpu.memory_space<hbm>>)
    } else {
    }
    %eq3A_169 = arith.constant 1 : i32
    %eq3A_170 = arith.cmpi eq, %arg0, %eq3A_169 : i32
    %eq3A_171 = arith.constant 0 : i32
    %eq3A_172 = arith.cmpi eq, %arg1, %eq3A_171 : i32
    %and3A_173 = arith.andi %eq3A_170, %eq3A_172 : i1
    %convert_element_type3A_174 = arith.extui %and3A_173 : i1 to i32
    %cond3A_175 = arith.constant 0 : i32
    %cond3A_176 = arith.cmpi ne, %convert_element_type3A_174, %cond3A_175 : i32
    scf.if %cond3A_176 {
      %get3A = arith.constant 16 : index
      %get3A_177 = tpu.vector_load %arg7[%get3A] {strides = array<i32>} : memref<32xi32, #tpu.memory_space<vmem>>, vector<16xi32>,
      %get3A_178 = vector.shape_cast %get3A_177 : vector<16xi32> to vector<16xi32>
      %get3A_179 = arith.constant 16 : index
      %get3A_180 = tpu.vector_load %arg8[%get3A_179] {strides = array<i32>} : memref<32xf32, #tpu.memory_space<vmem>>, vector<16xf32>,
      %get3A_181 = vector.shape_cast %get3A_180 : vector<16xf32> to vector<16xf32>
      %get3A_182 = arith.constant 16 : index
      %get3A_183 = tpu.vector_load %arg6[%get3A_182] {strides = array<i32>} : memref<32xi32, #tpu.memory_space<vmem>>, vector<16xi32>,
      %get3A_184 = vector.shape_cast %get3A_183 : vector<16xi32> to vector<16xi32>
      %add3A_185 = arith.constant 16 : i32
      %add3A_186 = vector.broadcast %add3A_185 : i32 to vector<16xi32>
      %add3A_187 = arith.addi %iota3A, %add3A_186 : vector<16xi32>
      %mul3A_188 = arith.constant 1024 : i32
      %mul3A_189 = vector.broadcast %mul3A_188 : i32 to vector<16xi32>
      %mul3A_190 = arith.muli %add3A_187, %mul3A_189 : vector<16xi32>
      %add3A_191 = arith.addi %mul3A_190, %get3A_184 : vector<16xi32>
      %mul3A_192 = arith.constant 512 : i32
      %mul3A_193 = vector.broadcast %mul3A_192 : i32 to vector<16xi32>
      %mul3A_194 = arith.muli %add3A_191, %mul3A_193 : vector<16xi32>
      %add3A_195 = arith.addi %mul3A_194, %get3A_178 : vector<16xi32>
      %swap3A = arith.constant 0 : index
      %swap3A_196 = tpu.vector_load %arg11[%swap3A] {strides = array<i32>} : memref<16xi32, #tpu.memory_space<vmem>>, vector<16xi32>,
      %swap3A_197 = vector.shape_cast %swap3A_196 : vector<16xi32> to vector<16xi32>
      %swap3A_198 = vector.shape_cast %add3A_195 : vector<16xi32> to vector<16xi32>
      tpu.vector_store %arg11[%swap3A], %swap3A_198 {strides = array<i32>} : memref<16xi32, #tpu.memory_space<vmem>>, vector<16xi32>,
      %swap3A_199 = arith.constant 0 : index
      %swap3A_200 = tpu.vector_load %arg10[%swap3A_199] {strides = array<i32>} : memref<16xf32, #tpu.memory_space<vmem>>, vector<16xf32>,
      %swap3A_201 = vector.shape_cast %swap3A_200 : vector<16xf32> to vector<16xf32>
      %swap3A_202 = vector.shape_cast %get3A_181 : vector<16xf32> to vector<16xf32>
      tpu.vector_store %arg10[%swap3A_199], %swap3A_202 {strides = array<i32>} : memref<16xf32, #tpu.memory_space<vmem>>, vector<16xf32>,
      %dma_start3A_203 = arith.constant 0 : i32
      %dma_start3A_204 = tpu.memref_slice %arg5[%dma_start3A_203] : memref<16777216xf32, #tpu.memory_space<hbm>> -> memref<16777216xf32, #tpu.memory_space<hbm>>
      tpu.enqueue_indirect_dma source(%arg10 : memref<16xf32, #tpu.memory_space<vmem>>) target(%dma_start3A_204 : memref<16777216xf32, #tpu.memory_space<hbm>>) offsets(%arg11 : memref<16xi32, #tpu.memory_space<vmem>>) semaphore(%arg13 : memref<!tpu.dma_semaphore, #tpu.memory_space<semaphore_mem>>)
      %dma_wait3A_205 = arith.constant 0 : i32
      %dma_wait3A_206 = tpu.memref_slice %arg5[%dma_wait3A_205] : memref<16777216xf32, #tpu.memory_space<hbm>> -> memref<16777216xf32, #tpu.memory_space<hbm>>
      tpu.wait_indirect_dma semaphore(%arg13 : memref<!tpu.dma_semaphore, #tpu.memory_space<semaphore_mem>>) src(%arg10 : memref<16xf32, #tpu.memory_space<vmem>>) dst(%dma_wait3A_206 : memref<16777216xf32, #tpu.memory_space<hbm>>)
    } else {
    }
    return
  }
}

module attributes {stable_mosaic.version = 14 : i64} {
  func.func @_vals_kernel(%arg0: memref<32x512xf32, #tpu.memory_space<vmem>>, %arg1: memref<512x512xf32, #tpu.memory_space<vmem>>, %arg2: memref<1x512xf32, #tpu.memory_space<vmem>>, %arg3: memref<1x512xf32, #tpu.memory_space<vmem>>, %arg4: memref<1x1xf32, #tpu.memory_space<vmem>>, %arg5: memref<512x512xf32, #tpu.memory_space<vmem>>, %arg6: memref<1x512xf32, #tpu.memory_space<vmem>>, %arg7: memref<1x512xf32, #tpu.memory_space<vmem>>, %arg8: memref<1x1xf32, #tpu.memory_space<vmem>>, %arg9: memref<1x32xi32, #tpu.memory_space<vmem>>, %arg10: memref<1x32xi32, #tpu.memory_space<vmem>>, %arg11: memref<1x32xi32, #tpu.memory_space<vmem>>, %arg12: memref<1x32xi32, #tpu.memory_space<vmem>>, %arg13: memref<1x32xf32, #tpu.memory_space<vmem>>, %arg14: memref<1x32xf32, #tpu.memory_space<vmem>>) attributes {dimension_semantics = [], scalar_prefetch = 0 : i64, scratch_operands = 0 : i64, tpu.core_type = #tpu.core_type<tc>} {
    %get3A = arith.constant 0 : index
    %get3A_0 = arith.constant 0 : index
    %get3A_1 = vector.load %arg0[%get3A, %get3A_0] : memref<32x512xf32, #tpu.memory_space<vmem>>, vector<32x512xf32>
    %get3A_2 = arith.constant 0 : index
    %get3A_3 = arith.constant 0 : index
    %get3A_4 = vector.load %arg1[%get3A_2, %get3A_3] : memref<512x512xf32, #tpu.memory_space<vmem>>, vector<512x512xf32>
    %dot_general3A = arith.constant dense<0.000000e+00> : vector<32x512xf32>
    %dot_general3A_5 = tpu.matmul %get3A_1, %get3A_4, %dot_general3A {dimension_numbers = #tpu.dot_dimension_numbers<[1], [0], [0], [1], [0, 0, 1, 1], [], []>, transpose_lhs_hint = false} : vector<32x512xf32>, vector<512x512xf32>, vector<32x512xf32> -> vector<32x512xf32>
    %get3A_6 = arith.constant 0 : index
    %get3A_7 = arith.constant 0 : index
    %get3A_8 = vector.load %arg2[%get3A_6, %get3A_7] : memref<1x512xf32, #tpu.memory_space<vmem>>, vector<1x512xf32>
    %add3A = vector.broadcast %get3A_8 : vector<1x512xf32> to vector<32x512xf32>
    %add3A_9 = arith.addf %dot_general3A_5, %add3A : vector<32x512xf32>
    %integer_pow3A = arith.mulf %add3A_9, %add3A_9 : vector<32x512xf32>
    %integer_pow3A_10 = arith.mulf %add3A_9, %integer_pow3A : vector<32x512xf32>
    %mul3A = arith.constant 4.471500e-02 : f32
    %mul3A_11 = vector.broadcast %mul3A : f32 to vector<32x512xf32>
    %mul3A_12 = arith.mulf %mul3A_11, %integer_pow3A_10 : vector<32x512xf32>
    %add3A_13 = arith.addf %add3A_9, %mul3A_12 : vector<32x512xf32>
    %mul3A_14 = arith.constant 0.797884583 : f32
    %mul3A_15 = vector.broadcast %mul3A_14 : f32 to vector<32x512xf32>
    %mul3A_16 = arith.mulf %mul3A_15, %add3A_13 : vector<32x512xf32>
    %tanh3A = math.tanh %mul3A_16 : vector<32x512xf32>
    %add3A_17 = arith.constant 1.000000e+00 : f32
    %add3A_18 = vector.broadcast %add3A_17 : f32 to vector<32x512xf32>
    %add3A_19 = arith.addf %add3A_18, %tanh3A : vector<32x512xf32>
    %mul3A_20 = arith.constant 5.000000e-01 : f32
    %mul3A_21 = vector.broadcast %mul3A_20 : f32 to vector<32x512xf32>
    %mul3A_22 = arith.mulf %mul3A_21, %add3A_19 : vector<32x512xf32>
    %mul3A_23 = arith.mulf %add3A_9, %mul3A_22 : vector<32x512xf32>
    %get3A_24 = arith.constant 0 : index
    %get3A_25 = arith.constant 0 : index
    %get3A_26 = vector.load %arg5[%get3A_24, %get3A_25] : memref<512x512xf32, #tpu.memory_space<vmem>>, vector<512x512xf32>
    %dot_general3A_27 = arith.constant dense<0.000000e+00> : vector<32x512xf32>
    %dot_general3A_28 = tpu.matmul %get3A_1, %get3A_26, %dot_general3A_27 {dimension_numbers = #tpu.dot_dimension_numbers<[1], [0], [0], [1], [0, 0, 1, 1], [], []>, transpose_lhs_hint = false} : vector<32x512xf32>, vector<512x512xf32>, vector<32x512xf32> -> vector<32x512xf32>
    %get3A_29 = arith.constant 0 : index
    %get3A_30 = arith.constant 0 : index
    %get3A_31 = vector.load %arg6[%get3A_29, %get3A_30] : memref<1x512xf32, #tpu.memory_space<vmem>>, vector<1x512xf32>
    %add3A_32 = vector.broadcast %get3A_31 : vector<1x512xf32> to vector<32x512xf32>
    %add3A_33 = arith.addf %dot_general3A_28, %add3A_32 : vector<32x512xf32>
    %integer_pow3A_34 = arith.mulf %add3A_33, %add3A_33 : vector<32x512xf32>
    %integer_pow3A_35 = arith.mulf %add3A_33, %integer_pow3A_34 : vector<32x512xf32>
    %mul3A_36 = arith.constant 4.471500e-02 : f32
    %mul3A_37 = vector.broadcast %mul3A_36 : f32 to vector<32x512xf32>
    %mul3A_38 = arith.mulf %mul3A_37, %integer_pow3A_35 : vector<32x512xf32>
    %add3A_39 = arith.addf %add3A_33, %mul3A_38 : vector<32x512xf32>
    %mul3A_40 = arith.constant 0.797884583 : f32
    %mul3A_41 = vector.broadcast %mul3A_40 : f32 to vector<32x512xf32>
    %mul3A_42 = arith.mulf %mul3A_41, %add3A_39 : vector<32x512xf32>
    %tanh3A_43 = math.tanh %mul3A_42 : vector<32x512xf32>
    %add3A_44 = arith.constant 1.000000e+00 : f32
    %add3A_45 = vector.broadcast %add3A_44 : f32 to vector<32x512xf32>
    %add3A_46 = arith.addf %add3A_45, %tanh3A_43 : vector<32x512xf32>
    %mul3A_47 = arith.constant 5.000000e-01 : f32
    %mul3A_48 = vector.broadcast %mul3A_47 : f32 to vector<32x512xf32>
    %mul3A_49 = arith.mulf %mul3A_48, %add3A_46 : vector<32x512xf32>
    %mul3A_50 = arith.mulf %add3A_33, %mul3A_49 : vector<32x512xf32>
    %get3A_51 = arith.constant 0 : index
    %get3A_52 = arith.constant 0 : index
    %get3A_53 = vector.load %arg3[%get3A_51, %get3A_52] : memref<1x512xf32, #tpu.memory_space<vmem>>, vector<1x512xf32>
    %dot_general3A_54 = arith.constant dense<0.000000e+00> : vector<1x32xf32>
    %dot_general3A_55 = tpu.matmul %get3A_53, %mul3A_23, %dot_general3A_54 {dimension_numbers = #tpu.dot_dimension_numbers<[1], [1], [0], [0], [0, 0, 1, 0], [], []>, transpose_lhs_hint = false} : vector<1x512xf32>, vector<32x512xf32>, vector<1x32xf32> -> vector<1x32xf32>
    %get3A_56 = arith.constant 0 : index
    %get3A_57 = arith.constant 0 : index
    %get3A_58 = vector.load %arg7[%get3A_56, %get3A_57] : memref<1x512xf32, #tpu.memory_space<vmem>>, vector<1x512xf32>
    %dot_general3A_59 = arith.constant dense<0.000000e+00> : vector<1x32xf32>
    %dot_general3A_60 = tpu.matmul %get3A_58, %mul3A_50, %dot_general3A_59 {dimension_numbers = #tpu.dot_dimension_numbers<[1], [1], [0], [0], [0, 0, 1, 0], [], []>, transpose_lhs_hint = false} : vector<1x512xf32>, vector<32x512xf32>, vector<1x32xf32> -> vector<1x32xf32>
    %get3A_61 = arith.constant 0 : index
    %get3A_62 = arith.constant 0 : index
    %get3A_63 = vector.load %arg4[%get3A_61, %get3A_62] : memref<1x1xf32, #tpu.memory_space<vmem>>, vector<1x1xf32>
    %add3A_64 = vector.broadcast %get3A_63 : vector<1x1xf32> to vector<1x32xf32>
    %add3A_65 = arith.addf %dot_general3A_55, %add3A_64 : vector<1x32xf32>
    %get3A_66 = arith.constant 0 : index
    %get3A_67 = arith.constant 0 : index
    %get3A_68 = vector.load %arg8[%get3A_66, %get3A_67] : memref<1x1xf32, #tpu.memory_space<vmem>>, vector<1x1xf32>
    %add3A_69 = vector.broadcast %get3A_68 : vector<1x1xf32> to vector<1x32xf32>
    %add3A_70 = arith.addf %dot_general3A_60, %add3A_69 : vector<1x32xf32>
    %get3A_71 = arith.constant 0 : index
    %get3A_72 = arith.constant 0 : index
    %get3A_73 = vector.load %arg9[%get3A_71, %get3A_72] : memref<1x32xi32, #tpu.memory_space<vmem>>, vector<1x32xi32>
    %get3A_74 = arith.constant 0 : index
    %get3A_75 = arith.constant 0 : index
    %get3A_76 = vector.load %arg10[%get3A_74, %get3A_75] : memref<1x32xi32, #tpu.memory_space<vmem>>, vector<1x32xi32>
    %eq3A = arith.constant 1 : i32
    %eq3A_77 = vector.broadcast %eq3A : i32 to vector<1x32xi32>
    %eq3A_78 = arith.cmpi eq, %get3A_73, %eq3A_77 : vector<1x32xi32>
    %eq3A_79 = arith.constant 2 : i32
    %eq3A_80 = vector.broadcast %eq3A_79 : i32 to vector<1x32xi32>
    %eq3A_81 = arith.cmpi eq, %get3A_73, %eq3A_80 : vector<1x32xi32>
    %or3A = arith.ori %eq3A_78, %eq3A_81 : vector<1x32xi1>
    %ne3A = arith.constant 0 : i32
    %ne3A_82 = vector.broadcast %ne3A : i32 to vector<1x32xi32>
    %ne3A_83 = arith.cmpi ne, %get3A_76, %ne3A_82 : vector<1x32xi32>
    %and3A = arith.andi %or3A, %ne3A_83 : vector<1x32xi1>
    %get3A_84 = arith.constant 0 : index
    %get3A_85 = arith.constant 0 : index
    %get3A_86 = vector.load %arg11[%get3A_84, %get3A_85] : memref<1x32xi32, #tpu.memory_space<vmem>>, vector<1x32xi32>
    %ne3A_87 = arith.constant 0 : i32
    %ne3A_88 = vector.broadcast %ne3A_87 : i32 to vector<1x32xi32>
    %ne3A_89 = arith.cmpi ne, %get3A_86, %ne3A_88 : vector<1x32xi32>
    %and3A_90 = arith.andi %and3A, %ne3A_89 : vector<1x32xi1>
    %eq3A_91 = arith.constant 3 : i32
    %eq3A_92 = vector.broadcast %eq3A_91 : i32 to vector<1x32xi32>
    %eq3A_93 = arith.cmpi eq, %get3A_73, %eq3A_92 : vector<1x32xi32>
    %ne3A_94 = arith.constant 0 : i32
    %ne3A_95 = vector.broadcast %ne3A_94 : i32 to vector<1x32xi32>
    %ne3A_96 = arith.cmpi ne, %get3A_76, %ne3A_95 : vector<1x32xi32>
    %and3A_97 = arith.andi %eq3A_93, %ne3A_96 : vector<1x32xi1>
    %get3A_98 = arith.constant 0 : index
    %get3A_99 = arith.constant 0 : index
    %get3A_100 = vector.load %arg12[%get3A_98, %get3A_99] : memref<1x32xi32, #tpu.memory_space<vmem>>, vector<1x32xi32>
    %ne3A_101 = arith.constant 0 : i32
    %ne3A_102 = vector.broadcast %ne3A_101 : i32 to vector<1x32xi32>
    %ne3A_103 = arith.cmpi ne, %get3A_100, %ne3A_102 : vector<1x32xi32>
    %and3A_104 = arith.andi %and3A_97, %ne3A_103 : vector<1x32xi1>
    %logistic3A = arith.negf %add3A_65 : vector<1x32xf32>
    %logistic3A_105 = math.exp %logistic3A : vector<1x32xf32>
    %logistic3A_106 = arith.constant 1.000000e+00 : f32
    %logistic3A_107 = vector.broadcast %logistic3A_106 : f32 to vector<1x32xf32>
    %logistic3A_108 = arith.addf %logistic3A_107, %logistic3A_105 : vector<1x32xf32>
    %logistic3A_109 = arith.divf %logistic3A_107, %logistic3A_108 : vector<1x32xf32>
    %convert_element_type3A = arith.extui %and3A_90 : vector<1x32xi1> to vector<1x32xi32>
    %convert_element_type3A_110 = arith.sitofp %convert_element_type3A : vector<1x32xi32> to vector<1x32xf32>
    %mul3A_111 = arith.mulf %logistic3A_109, %convert_element_type3A_110 : vector<1x32xf32>
    %swap3A = arith.constant 0 : index
    %swap3A_112 = arith.constant 0 : index
    %swap3A_113 = vector.load %arg13[%swap3A, %swap3A_112] : memref<1x32xf32, #tpu.memory_space<vmem>>, vector<1x32xf32>
    tpu.vector_store %arg13[%swap3A, %swap3A_112], %mul3A_111 {strides = array<i32>} : memref<1x32xf32, #tpu.memory_space<vmem>>, vector<1x32xf32>,
    %logistic3A_114 = arith.negf %add3A_70 : vector<1x32xf32>
    %logistic3A_115 = math.exp %logistic3A_114 : vector<1x32xf32>
    %logistic3A_116 = arith.constant 1.000000e+00 : f32
    %logistic3A_117 = vector.broadcast %logistic3A_116 : f32 to vector<1x32xf32>
    %logistic3A_118 = arith.addf %logistic3A_117, %logistic3A_115 : vector<1x32xf32>
    %logistic3A_119 = arith.divf %logistic3A_117, %logistic3A_118 : vector<1x32xf32>
    %convert_element_type3A_120 = arith.extui %and3A_104 : vector<1x32xi1> to vector<1x32xi32>
    %convert_element_type3A_121 = arith.sitofp %convert_element_type3A_120 : vector<1x32xi32> to vector<1x32xf32>
    %mul3A_122 = arith.mulf %logistic3A_119, %convert_element_type3A_121 : vector<1x32xf32>
    %swap3A_123 = arith.constant 0 : index
    %swap3A_124 = arith.constant 0 : index
    %swap3A_125 = vector.load %arg14[%swap3A_123, %swap3A_124] : memref<1x32xf32, #tpu.memory_space<vmem>>, vector<1x32xf32>
    tpu.vector_store %arg14[%swap3A_123, %swap3A_124], %mul3A_122 {strides = array<i32>} : memref<1x32xf32, #tpu.memory_space<vmem>>, vector<1x32xf32>,
    return
  }
}

module attributes {stable_mosaic.version = 14 : i64} {
  func.func @_step_kernel(%arg0: i32, %arg1: memref<32xi32, #tpu.memory_space<smem>>, %arg2: memref<32xi32, #tpu.memory_space<smem>>, %arg3: memref<1x32xf32, #tpu.memory_space<vmem>>, %arg4: memref<1x1024x1024xf32, #tpu.memory_space<vmem>>) attributes {dimension_semantics = [#tpu.dimension_semantics<arbitrary>], iteration_bounds = array<i64: 32>, scalar_prefetch = 2 : i64, scratch_operands = 0 : i64, tpu.core_type = #tpu.core_type<tc>, window_params = [{pipeline_mode = #tpu.pipeline_mode<synchronous>, transform_indices = @transform_0, window_bounds = array<i64: 1, 32>}, {transform_indices = @transform_1, window_bounds = array<i64: 1, 1024, 1024>}]} {
    %get3A = arith.index_cast %arg0 : i32 to index
    %get3A_0 = memref.load %arg1[%get3A] : memref<32xi32, #tpu.memory_space<smem>>
    %get3A_1 = arith.index_cast %arg0 : i32 to index
    %get3A_2 = memref.load %arg2[%get3A_1] : memref<32xi32, #tpu.memory_space<smem>>
    %iota3A = tpu.iota {dimensions = array<i32: 1>} : vector<1x32xi32>
    %eq3A = vector.broadcast %arg0 : i32 to vector<1x32xi32>
    %eq3A_3 = arith.cmpi eq, %iota3A, %eq3A : vector<1x32xi32>
    %get3A_4 = arith.constant 0 : index
    %get3A_5 = arith.constant 0 : index
    %get3A_6 = vector.load %arg3[%get3A_4, %get3A_5] : memref<1x32xf32, #tpu.memory_space<vmem>>, vector<1x32xf32>
    %jit3A = arith.constant 0.000000e+00 : f32
    %broadcast_in_dim3A = vector.broadcast %jit3A : f32 to vector<1x32xf32>
    %select_n3A = arith.select %eq3A_3, %get3A_6, %broadcast_in_dim3A : vector<1x32xi1>, vector<1x32xf32>
    %reduce_sum3A = vector.shape_cast %select_n3A : vector<1x32xf32> to vector<1x1x32xf32>
    %reduce_sum3A_7 = arith.constant dense<0.000000e+00> : vector<1xf32>
    %reduce_sum3A_8 = vector.multi_reduction <add>, %reduce_sum3A, %reduce_sum3A_7 [1, 2] : vector<1x1x32xf32> to vector<1xf32>
    %reduce_sum3A_9 = vector.shape_cast %reduce_sum3A_8 : vector<1xf32> to vector<1x1x1xf32>
    %reduce_sum3A_10 = vector.extract %reduce_sum3A_9[0, 0, 0] : f32 from vector<1x1x1xf32>
    %broadcast_in_dim3A_11 = arith.constant 0.000000e+00 : f32
    %broadcast_in_dim3A_12 = vector.broadcast %broadcast_in_dim3A_11 : f32 to vector<1024x1024xf32>
    %swap3A = arith.constant 0 : index
    %swap3A_13 = arith.constant 0 : index
    %swap3A_14 = arith.constant 0 : index
    %swap3A_15 = vector.load %arg4[%swap3A, %swap3A_13, %swap3A_14] : memref<1x1024x1024xf32, #tpu.memory_space<vmem>>, vector<1x1024x1024xf32>
    %swap3A_16 = vector.shape_cast %swap3A_15 : vector<1x1024x1024xf32> to vector<1024x1024xf32>
    %swap3A_17 = vector.shape_cast %broadcast_in_dim3A_12 : vector<1024x1024xf32> to vector<1x1024x1024xf32>
    tpu.vector_store %arg4[%swap3A, %swap3A_13, %swap3A_14], %swap3A_17 {strides = array<i32>} : memref<1x1024x1024xf32, #tpu.memory_space<vmem>>, vector<1x1024x1024xf32>,
    %iota3A_18 = tpu.iota {dimensions = array<i32: 1>} : vector<1x1024xi32>
    %eq3A_19 = vector.broadcast %get3A_2 : i32 to vector<1x1024xi32>
    %eq3A_20 = arith.cmpi eq, %iota3A_18, %eq3A_19 : vector<1x1024xi32>
    %jit3A_21 = arith.constant 0.000000e+00 : f32
    %broadcast_in_dim3A_22 = vector.broadcast %reduce_sum3A_10 : f32 to vector<1x1024xf32>
    %broadcast_in_dim3A_23 = vector.broadcast %jit3A_21 : f32 to vector<1x1024xf32>
    %select_n3A_24 = arith.select %eq3A_20, %broadcast_in_dim3A_22, %broadcast_in_dim3A_23 : vector<1x1024xi1>, vector<1x1024xf32>
    %swap3A_25 = arith.constant 0 : index
    %swap3A_26 = arith.index_cast %get3A_0 : i32 to index
    %swap3A_27 = arith.constant 0 : index
    %swap3A_28 = vector.load %arg4[%swap3A_25, %swap3A_26, %swap3A_27] : memref<1x1024x1024xf32, #tpu.memory_space<vmem>>, vector<1x1x1024xf32>
    %swap3A_29 = vector.shape_cast %swap3A_28 : vector<1x1x1024xf32> to vector<1x1024xf32>
    %swap3A_30 = vector.shape_cast %select_n3A_24 : vector<1x1024xf32> to vector<1x1x1024xf32>
    tpu.vector_store %arg4[%swap3A_25, %swap3A_26, %swap3A_27], %swap3A_30 {strides = array<i32>} : memref<1x1024x1024xf32, #tpu.memory_space<vmem>>, vector<1x1x1024xf32>,
    return
  }
  func.func @transform_0(%arg0: i32, %arg1: memref<32xi32, #tpu.memory_space<smem>>, %arg2: memref<32xi32, #tpu.memory_space<smem>>) -> (i32, i32) {
    %c0_i32 = arith.constant 0 : i32
    %c0_i32_0 = arith.constant 0 : i32
    %c0_i32_1 = arith.constant 0 : i32
    return %c0_i32, %c0_i32_0 : i32, i32
  }
  func.func @transform_1(%arg0: i32, %arg1: memref<32xi32, #tpu.memory_space<smem>>, %arg2: memref<32xi32, #tpu.memory_space<smem>>) -> (i32, i32, i32) {
    %c0_i32 = arith.constant 0 : i32
    %c0_i32_0 = arith.constant 0 : i32
    %c0_i32_1 = arith.constant 0 : i32
    return %arg0, %c0_i32, %c0_i32_0 : i32, i32, i32
  }
}

</mosaic_0001>

<sc_bundles>
// kernel: kernel.5.cloned.1.call-start
scs
__scs_entry_jumppad:
0x0: {  	(pc) =	sbr.rel $0x88, $3  }
0x1: {  	(tag) =	ssettag $0x0;
	lr =	simm.s32 $0x1  }
0x2: {  	[smem:$0x3F91] =	sst lr;
	_ =	strace $0xD0000000  }
0x3: {  	_ = 	snop  }
0x4: {  	_ = 	snop  }
0x5: {  	_ = 	snop  }
0x6: {  	_ = 	snop  }
0x7: {  	_ = 	snop  }
__scs_overlays_trampoline_lowered:
0x8: {  	[smem:$0x3FA0] =	sst s0  }
0x9: {  	[smem:$0x3FA1] =	sst s1  }
0xa: {  	[smem:$0x3FA2] =	sst s2  }
0xb: {  	[smem:$0x3FA3] =	sst s3  }
0xc: {  	[smem:$0x3FA4] =	sst s4  }
0xd: {  	[smem:$0x3FA5] =	sst s5  }
0xe: {  	[smem:$0x3FA6] =	sst s6  }
0xf: {  	[smem:$0x3FA7] =	sst s7  }
0x10: {  	[smem:$0x3FA8] =	sst s8  }
0x11: {  	[smem:$0x3FA9] =	sst s9;
	s0 =	simm.s32 @!p0 $0x0  }
0x12: {  	s1 =	sld [smem:$0x3F8F];
	s0 =	simm.s32 @p0 $0x1  }
0x13: {  	[smem:$0x3FAA] =	sst s0;
	s0 =	simm.s32 @!p1 $0x0  }
0x14: {  	s2 =	sld [smem:$0x3F8E];
	s0 =	simm.s32 @p1 $0x1  }
0x15: {  	[smem:$0x3FAB] =	sst s0;
	s0 =	simm.s32 @!p2 $0x0  }
0x16: {  	s3 =	sld [smem:$0x3FDB];
	s0 =	simm.s32 @p2 $0x1  }
0x17: {  	s4 =	simm.s32 $0x1BF5;
	[smem:$0x3FAD] =	sst s0  }
0x18: {  	s0 =	sld [smem:$0x3F90];
	_ =	swait.ge [sflag:s4], $0x0  }
0x19: {  	s7 =	sld [smem:$0x3F91]  }
0x1a: {  	s8 =	sadd.s32 $0xFFFFE003, lr  }
0x1b: {  	s9 =	sadd.s32 $0xFFFFFEF7, lr;
	s5 =	simm.s32 $0xFFFFFFFF;
	p2 =	slt.u32 s8, $0xFFFFF086  }
0x1c: {  	p1 =	slt.u32 s9, $0xF7A;
	s5 =	simm.s32 @!p2 $0x0  }
0x1d: {  	s5 =	simm.s32 @p1 $0x1;
	p0 =	seq.s32 s7, s2  }
0x1e: {  	s7 =	smul.u32 @!p0 $0xF7A, s2;
	p2 =	seq.s32 @!p0 s5, $0x0  }
0x1f: {  	s9 =	smul.u32 $0xF7A, s1;
	s8 =	simm.s32 @!p0 $0x1BF5;
	p2 =	por !p2, p0  }
0x20: {  	[sflag:s8] =	ssyncset.s32 @!p0 $0xFFFFF086;
	s6 =	sadd.s32 @!p0 s3, s7;
	s7 =	simm.s32 @!p0 $0x108  }
0x21: {  	s3 =	sadd.s32 s3, s9;
	s6 =	sadd.s32 @!p0 $0x88, s6;
	s7 =	simm.s32 @p2 $0x1082  }
0x22: {  	[simem:s7], [sflag:s8] =	dma.local @!p0 [hbm:s6], $0xF7A  }
0x23: {  	s9 =	sor.u32 $0xD0000000, s2;
	s6 =	simm.s32 $0x108;
	_ =	swait.ge @!p0 [sflag:s8], $0x0  }
0x24: {  	s3 =	sadd.s32 $0x88, s3;
	s6 =	simm.s32 @!p1 $0x1082;
	[sflag:s4] =	ssyncset.s32 $0xFFFFF086  }
0x25: {  	[simem:s6], [sflag:s4] =	dma.local [hbm:s3], $0xF7A  }
0x26: {  	[smem:$0x3F91] =	sst s1;
	(tag) =	ssettag s2;
	_ =	strace s9  }
0x27: {  	s1 =	sld [smem:$0x3FA1]  }
0x28: {  	s2 =	sld [smem:$0x3FA2]  }
0x29: {  	s4 =	sld [smem:$0x3FA4]  }
0x2a: {  	p0 =	seq.s32 s5, $0x0;
	s5 =	sld [smem:$0x3FA5]  }
0x2b: {  	s6 =	sld [smem:$0x3FA6]  }
0x2c: {  	s7 =	sld [smem:$0x3FA7]  }
0x2d: {  	s3 =	simm.s32 $0x108;
	s8 =	sld [smem:$0x3FA8]  }
0x2e: {  	s3 =	simm.s32 @!p0 $0x1082;
	s9 =	sld [smem:$0x3FA9]  }
0x2f: {  	lr =	sadd.s32 s0, s3;
	s0 =	sld [smem:$0x3FA0]  }
0x30: {  	s3 =	sld [smem:$0x3FA3]  }
0x31: {  	[smem:$0x3FAC] =	sst s10  }
0x32: {  	s10 =	sld [smem:$0x3FAA];
	_ =	sdelay $0x3  }
0x33: {  	p0 =	seq.s32 s10, $0x1;
	s10 =	sld [smem:$0x3FAC];
	_ =	sdelay $0x3  }
0x34: {  	[smem:$0x3FAC] =	sst s10  }
0x35: {  	s10 =	sld [smem:$0x3FAB];
	_ =	sdelay $0x3  }
0x36: {  	p1 =	seq.s32 s10, $0x1;
	s10 =	sld [smem:$0x3FAC];
	_ =	sdelay $0x3  }
0x37: {  	[smem:$0x3FAC] =	sst s10  }
0x38: {  	s10 =	sld [smem:$0x3FAD]  }
0x39: {  	_ = 	snop;
	(pc) =	sbr.ind lr, $3  }
0x3a: {  	_ = 	snop  }
0x3b: {  	_ = 	snop  }
0x3c: {  	p2 =	seq.s32 s10, $0x1;
	s10 =	sld [smem:$0x3FAC]  }
0x3d: {  	_ =	shalt  }
0x3e: {  	_ =	shalt  }
0x3f: {  	_ =	shalt  }
0x40: {  	_ =	shalt  }
0x41: {  	_ =	shalt  }
0x42: {  	_ =	shalt  }
0x43: {  	_ =	shalt  }
0x44: {  	_ =	shalt  }
0x45: {  	_ =	shalt  }
0x46: {  	_ =	shalt  }
0x47: {  	_ =	shalt  }
0x48: {  	_ =	shalt  }
0x49: {  	_ =	shalt  }
0x4a: {  	_ =	shalt  }
0x4b: {  	_ =	shalt  }
0x4c: {  	_ =	shalt  }
0x4d: {  	_ =	shalt  }
0x4e: {  	_ =	shalt  }
0x4f: {  	_ =	shalt  }
0x50: {  	_ =	shalt  }
0x51: {  	_ =	shalt  }
0x52: {  	_ =	shalt  }
0x53: {  	_ =	shalt  }
0x54: {  	_ =	shalt  }
0x55: {  	_ =	shalt  }
0x56: {  	_ =	shalt  }
0x57: {  	_ =	shalt  }
0x58: {  	_ =	shalt  }
0x59: {  	_ =	shalt  }
0x5a: {  	_ =	shalt  }
0x5b: {  	_ =	shalt  }
0x5c: {  	_ =	shalt  }
0x5d: {  	_ =	shalt  }
0x5e: {  	_ =	shalt  }
0x5f: {  	_ =	shalt  }
0x60: {  	_ =	shalt  }
0x61: {  	_ =	shalt  }
0x62: {  	_ =	shalt  }
0x63: {  	_ =	shalt  }
0x64: {  	_ =	shalt  }
0x65: {  	_ =	shalt  }
0x66: {  	_ =	shalt  }
0x67: {  	_ =	shalt  }
0x68: {  	_ =	shalt  }
0x69: {  	_ =	shalt  }
0x6a: {  	_ =	shalt  }
0x6b: {  	_ =	shalt  }
0x6c: {  	_ =	shalt  }
0x6d: {  	_ =	shalt  }
0x6e: {  	_ =	shalt  }
0x6f: {  	_ =	shalt  }
0x70: {  	_ =	shalt  }
0x71: {  	_ =	shalt  }
0x72: {  	_ =	shalt  }
0x73: {  	_ =	shalt  }
0x74: {  	_ =	shalt  }
0x75: {  	_ =	shalt  }
0x76: {  	_ =	shalt  }
0x77: {  	_ =	shalt  }
0x78: {  	_ =	shalt  }
0x79: {  	_ =	shalt  }
0x7a: {  	_ =	shalt  }
0x7b: {  	_ =	shalt  }
0x7c: {  	_ =	shalt  }
0x7d: {  	_ =	shalt  }
0x7e: {  	_ =	shalt  }
0x7f: {  	_ =	shalt  }
0x80: {  	_ =	shalt  }
0x81: {  	_ =	shalt  }
0x82: {  	_ =	shalt  }
0x83: {  	_ =	shalt  }
0x84: {  	_ =	shalt  }
0x85: {  	_ =	shalt  }
0x86: {  	_ =	shalt  }
0x87: {  	_ =	shalt  }
.Lfunc_end0:
.L_simem_size_0:
called_computation_lowered:
.L_overlay_start_0:
0x88: {  	s2 =	sld [smem:$0x3FD9]  }
0x89: {  	s3 =	sld [smem:$0x3FFE];
	_ =	sdelay $0x1  }
0x8a: {  	s1 =	srdreg.scid  }
0x8b: {  	s0 =	sand.u32 $0x1, s1  }
0x8c: {  	s14 =	sshll.u32 s0, $0xA;
	s2 =	sadd.s32 s3, s2  }
0x8d: {  	s2 =	sadd.s32 s2, s14  }
0x8e: {  	[smem:$0x3FB8] =	sst s2  }
0x8f: {  	_ = 	snop  }
0x90: {  	s2 =	sld [smem:$0x3FD0];
	_ =	sdelay $0x1  }
0x91: {  	s15 =	sld [smem:$0x3FC7]  }
0x92: {  	s5 =	simm.s32 $0xA;
	s6 =	simm.s32 $0x10;
	s4 =	sld [smem:$0x3FC3]  }
0x93: {  	[smem:s6], [sflag:s5] =	dma.local [hbm:s2], $0x1  }
0x94: {  	_ =	swait.eq [sflag:s5], $0x1  }
0x95: {  	[sflag:s5] =	ssyncset.done $0x0  }
0x96: {  	[sflag:s5] =	ssyncadd.s32 $0xFFFFFFFF  }
0x97: {  	s16 =	sld [smem:$0x10];
	(tm) =	ssettm $0x1  }
0x98: {  	s17 =	sld [smem:$0x3FFB];
	_ =	sdelay $0x3  }
0x99: {  	_ =	strace s17  }
0x9a: {  	s5 =	sld [smem:$0x3FFC];
	_ =	sdelay $0x3  }
0x9b: {  	_ =	strace s5  }
0x9c: {  	s5 =	sld [smem:$0x3FFD];
	_ =	sdelay $0x3  }
0x9d: {  	_ =	strace s5  }
0x9e: {  	_ =	strace $0x8FFFFFFF  }
0x9f: {  	s18 =	sld [smem:$0x3FDB];
	_ =	sdelay $0x1  }
0xa0: {  	s19 =	simm.s32 $_scs_section_size  }
0xa1: {  	s7 =	simm.s32 $_size__tile_overlayer_lowered;
	s8 =	simm.s32 $_tile_overlayer_lowered  }
0xa2: {  	s22 =	simm.s32 $0x1BFF;
	s21 =	sshll.u32 s8, $0x1;
	s5 =	sadd.s32 s19, s18  }
0xa3: {  	s9 =	simm.s32 $0x0;
	s20 =	sshll.u32 s7, $0x1;
	s7 =	sadd.s32 s21, s5  }
0xa4: {  	[timem:s9], [sflag:s22] =	dma.local [hbm:s7], s20  }
0xa5: {  	_ =	swait.ge [sflag:s22], s20  }
0xa6: {  	s6 =	ssub.s32 $0x0, s20;
	[sflag:s22] =	ssyncset.done $0x0  }
0xa7: {  	[sflag:s22] =	ssyncadd.s32 s6;
	_ =	sdelay $0x1  }
0xa8: {  	s23 =	simm.s32 $0x1B8B  }
0xa9: {  	_ =	swait.ge [sflag:s23], $0x1  }
0xaa: {  	[sflag:s23] =	ssyncset.done $0x0  }
0xab: {  	s25 =	simm.s32 $0x1B8E;
	s24 =	sld [smem:$0x3FFE];
	[sflag:s23] =	ssyncadd.s32 $0xFFFFFFFF  }
0xac: {  	s26 =	simm.s32 $execute0_lowered;
	[smem:$0x3FD2] =	sst s25  }
0xad: {  	s7 =	sshll.u32 s26, $0x1;
	_ =	strace $0x80000046;
	[dreg:$0x1] =	wrdreg $0xFFFFFFFF  }
0xae: {  	s28 =	simm.s32 $_size_execute0_lowered;
	s5 =	sadd.s32 s5, s7;
	[dreg:$0x0] =	wrdreg $0x0  }
0xaf: {  	s7 =	sshll.u32 s28, $0x1;
	[dreg:$0x2] =	wrdreg s5  }
0xb0: {  	[dreg:$0x3] =	wrdreg s7  }
0xb1: {  	[dreg:$0x4] =	wrdreg $0xC0  }
0xb2: {  	_ =	task [dreg:s9], $0x5FFFF  }
0xb3: {  	[dreg:$0x1] =	wrdreg $0xFFFFFFFF  }
0xb4: {  	[dreg:$0x0] =	wrdreg $0x60  }
0xb5: {  	[dreg:$0x2] =	wrdreg s15  }
0xb6: {  	[dreg:$0x3] =	wrdreg s4  }
0xb7: {  	[dreg:$0x4] =	wrdreg s16  }
0xb8: {  	[dreg:$0x5] =	wrdreg s24  }
0xb9: {  	[dreg:$0x6] =	wrdreg $0x9  }
0xba: {  	_ =	task.clear_ibuf [dreg:s9], $0x7FFFF;
	_ =	strace $0x90000046  }
0xbb: {  	s29 =	simm.s32 $0x9;
	_ =	strace $0x80000048  }
0xbc: {  	_ =	swait.ge [sflag:s29], $0x1  }
0xbd: {  	[sflag:s29] =	ssyncadd.s32 $0xFFFFFFFF  }
0xbe: {  	_ =	strace $0x90000048  }
0xbf: {  	_ =	sfence  }
0xc0: {  	s30 =	sld [smem:$0x0];
	_ =	sdelay $0x2  }
0xc1: {  	s31 =	sshll.u32 s1, $0xD;
	s1 =	sshrl.u32 s1, $0x2  }
0xc2: {  	s3 =	sand.u32 $0x4000, s31;
	s1 =	sadd.s32 s1, s30  }
0xc3: {  	s0 =	sor.u32 s3, s0;
	s1 =	sshll.u32 s1, $0x11  }
0xc4: {  	s0 =	sor.u32 s1, s0  }
0xc5: {  	s0 =	sadd.s32 $0x8F2B, s0  }
0xc6: {  	[sflag:s0] =	ssyncadd.remote.s32 $0x1  }
0xc7: {  	_ =	sfence.sel $0xFFFF  }
0xc8: {  	[dreg:$0x0] =	wrdreg $0xFFFFFFFF;
	(pc) =	sbr.abs _section_cstart, $3  }
0xc9: {  	[dreg:$0x1] =	wrdreg $0xFFFFFFFF  }
0xca: {  	_ =	task.clear_ibuf [dreg:s9], $0x2FFFF;
	_ =	strace $0x9FFFFFFF  }
0xcb: {  	(tm) =	ssettm $0x7FFFFFFF  }
tec
execute0_lowered:
.L_overlay_start_1:
0x0: {  	(tag) =	ssettag $0x1  }
0x1: {  	s1 =	rddreg [dreg:$0x0]  }
0x2: {  	s2 =	rddreg [dreg:$0x1]  }
0x3: {  	s3 =	rddreg [dreg:$0x2]  }
0x4: {  	s0 =	rddreg [dreg:$0x3]  }
0x5: {  	s5 =	srdreg.scid;
	s4 =	stileid.u32;
	s24 =	simm.s32 $0x3  }
0x6: {  	s28 =	simm.s32 $0x180;
	s29 =	simm.s32 $0x1;
	s30 =	simm.s32 $0x0  }
0x7: {  	s23 =	sand.u32 $0x1, s5;
	s5 =	simm.s32 $0x0;
	s8 =	sshll.u32 s4, $0x10  }
0x8: {  	s6 =	sadd.s32 $0x1E00, s0;
	p0 =	seq.s32 s4, $0x0;
	s7 =	sshll.u32 s23, $0x14  }
0x9: {  	s26 =	ssub.s32 $0x2, s23;
	[smem:$0x7FF] =	sst s5;
	p1 =	seq.s32 s23, $0x1  }
0xa: {  	s25 =	sor.u32 s4, s23;
	s7 =	sor.u32 s8, s7;
	s31 =	sshrl.u32 s26, $0x1  }
0xb: {  	_ =	strace $0x80000047;
	p0 =	por !p0, !p1;
	p1 =	sne.s32 s25, $0x0  }
0xc: {  	s25 =	simm.s32 $0x80;
	s7 =	sadd.s32 s6, s7;
	s0 =	ssub.s32 s26, s31  }
0xd: {  	p0 =	por !p0, !p0;
	s26 =	simm.s32 $0x100;
	s8 =	sadd.s32 $0x1000, s7  }
0xe: {  	s9 =	sadd.s32 $0x2000, s7;
	s10 =	sadd.s32 $0x3000, s7;
	s11 =	sadd.s32 $0x4000, s7  }
0xf: {  	s12 =	sadd.s32 $0x5000, s7;
	s13 =	sadd.s32 $0x6000, s7;
	s14 =	sadd.s32 $0x7000, s7  }
0x10: {  	s15 =	sadd.s32 $0x8000, s7;
	s16 =	sadd.s32 $0x9000, s7;
	s17 =	sadd.s32 $0xA000, s7  }
0x11: {  	s18 =	sadd.s32 $0xB000, s7;
	s19 =	sadd.s32 $0xC000, s7;
	s20 =	sadd.s32 $0xD000, s7  }
0x12: {  	v0 =	vimm.f32 $0.0e+00;
	s21 =	sadd.s32 $0xE000, s7;
	s22 =	sadd.s32 $0xF000, s7;
	s23 =	smax.u32 s0, $0x1  }
.LBB2_1:
0x13: {  	[tilespmem:s5], [sflag:$0x3] =	stream.linear.gather [hbm4b:s1+s5], $0x80, $0x38;
	[tilespmem:$0x8280] =	vst v63  }
0x14: {  	_ =	swait.ge [sflag:s24], $0x80  }
0x15: {  	[sflag:s24] =	ssyncset.done $0x0  }
0x16: {  	[sflag:s24] =	ssyncadd.s32 $0xFFFFFF80  }
0x17: {  	[tilespmem:s25], [sflag:$0x3] =	stream.linear.gather [hbm4b:s2+s5], $0x80, $0x38;
	[tilespmem:$0x8280] =	vst v63  }
0x18: {  	_ =	swait.ge [sflag:s24], $0x80  }
0x19: {  	[sflag:s24] =	ssyncset.done $0x0  }
0x1a: {  	[sflag:s24] =	ssyncadd.s32 $0xFFFFFF80  }
0x1b: {  	[tilespmem:s26], [sflag:$0x3] =	stream.linear.gather [hbm4b:s3+s5], $0x80, $0x38;
	[tilespmem:$0x8280] =	vst v63  }
0x1c: {  	_ =	swait.ge [sflag:s24], $0x80  }
0x1d: {  	[sflag:s24] =	ssyncset.done $0x0  }
0x1e: {  	s31 =	simm.s32 $0x40;
	s0 =	simm.s32 $0x0;
	[sflag:s24] =	ssyncadd.s32 $0xFFFFFF80  }
.LBB2_2:
0x1f: {  	p2 =	sne.s32 s31, $0x1FFC0;
	[tilespmem:s0+$0x180] =	vst v0;
	s0 =	smov.u32 s31;
	s31 =	sadd.s32 $0x40, s31  }
.Ltmp0:
0x20: {  	(pc) =	sbr.rel @p2 .LBB2_2-.Ltmp0, $2  }
0x21: {  	_ =	sdelay $0x2  }
0x22: {  	s0 =	sshra.s32 s0, $0x2  }
0x23: {  	[tilespmem:s0+$0x180] =	vst v0  }
0x24: {  	[hbm4b:s7+s5] =	stream.linear.scatter [tilespmem:s28], [sflag:$0x1], $0x8000, $0x38;
	[tilespmem:$0x8280] =	vst v63  }
0x25: {  	_ = 	snop  }
0x26: {  	[hbm4b:s8+s5] =	stream.linear.scatter [tilespmem:s28], [sflag:$0x1], $0x8000, $0x38;
	[tilespmem:$0x8280] =	vst v63  }
0x27: {  	_ = 	snop  }
0x28: {  	[hbm4b:s9+s5] =	stream.linear.scatter [tilespmem:s28], [sflag:$0x1], $0x8000, $0x38;
	[tilespmem:$0x8280] =	vst v63  }
0x29: {  	_ = 	snop  }
0x2a: {  	[hbm4b:s10+s5] =	stream.linear.scatter [tilespmem:s28], [sflag:$0x1], $0x8000, $0x38;
	[tilespmem:$0x8280] =	vst v63  }
0x2b: {  	_ = 	snop  }
0x2c: {  	[hbm4b:s11+s5] =	stream.linear.scatter [tilespmem:s28], [sflag:$0x1], $0x8000, $0x38;
	[tilespmem:$0x8280] =	vst v63  }
0x2d: {  	_ = 	snop  }
0x2e: {  	[hbm4b:s12+s5] =	stream.linear.scatter [tilespmem:s28], [sflag:$0x1], $0x8000, $0x38;
	[tilespmem:$0x8280] =	vst v63  }
0x2f: {  	_ = 	snop  }
0x30: {  	[hbm4b:s13+s5] =	stream.linear.scatter [tilespmem:s28], [sflag:$0x1], $0x8000, $0x38;
	[tilespmem:$0x8280] =	vst v63  }
0x31: {  	_ = 	snop  }
0x32: {  	[hbm4b:s14+s5] =	stream.linear.scatter [tilespmem:s28], [sflag:$0x1], $0x8000, $0x38;
	[tilespmem:$0x8280] =	vst v63  }
0x33: {  	_ = 	snop  }
0x34: {  	[hbm4b:s15+s5] =	stream.linear.scatter [tilespmem:s28], [sflag:$0x1], $0x8000, $0x38;
	[tilespmem:$0x8280] =	vst v63  }
0x35: {  	_ = 	snop  }
0x36: {  	[hbm4b:s16+s5] =	stream.linear.scatter [tilespmem:s28], [sflag:$0x1], $0x8000, $0x38;
	[tilespmem:$0x8280] =	vst v63  }
0x37: {  	_ = 	snop  }
0x38: {  	[hbm4b:s17+s5] =	stream.linear.scatter [tilespmem:s28], [sflag:$0x1], $0x8000, $0x38;
	[tilespmem:$0x8280] =	vst v63  }
0x39: {  	_ = 	snop  }
0x3a: {  	[hbm4b:s18+s5] =	stream.linear.scatter [tilespmem:s28], [sflag:$0x1], $0x8000, $0x38;
	[tilespmem:$0x8280] =	vst v63  }
0x3b: {  	_ = 	snop  }
0x3c: {  	[hbm4b:s19+s5] =	stream.linear.scatter [tilespmem:s28], [sflag:$0x1], $0x8000, $0x38;
	[tilespmem:$0x8280] =	vst v63  }
0x3d: {  	_ = 	snop  }
0x3e: {  	[hbm4b:s20+s5] =	stream.linear.scatter [tilespmem:s28], [sflag:$0x1], $0x8000, $0x38;
	[tilespmem:$0x8280] =	vst v63  }
0x3f: {  	_ = 	snop  }
0x40: {  	[hbm4b:s21+s5] =	stream.linear.scatter [tilespmem:s28], [sflag:$0x1], $0x8000, $0x38;
	[tilespmem:$0x8280] =	vst v63  }
0x41: {  	_ = 	snop  }
0x42: {  	[hbm4b:s22+s5] =	stream.linear.scatter [tilespmem:s28], [sflag:$0x1], $0x8000, $0x38;
	[tilespmem:$0x8280] =	vst v63  }
0x43: {  	_ =	swait.ge [sflag:s29], $0x8000  }
0x44: {  	[sflag:s29] =	ssyncset.done $0x0  }
0x45: {  	[sflag:s29] =	ssyncadd.s32 $0xFFFF8000  }
0x46: {  	_ =	swait.ge [sflag:s29], $0x8000  }
0x47: {  	[sflag:s29] =	ssyncset.done $0x0  }
0x48: {  	[sflag:s29] =	ssyncadd.s32 $0xFFFF8000  }
0x49: {  	_ =	swait.ge [sflag:s29], $0x8000  }
0x4a: {  	[sflag:s29] =	ssyncset.done $0x0  }
0x4b: {  	[sflag:s29] =	ssyncadd.s32 $0xFFFF8000  }
0x4c: {  	_ =	swait.ge [sflag:s29], $0x8000  }
0x4d: {  	[sflag:s29] =	ssyncset.done $0x0  }
0x4e: {  	[sflag:s29] =	ssyncadd.s32 $0xFFFF8000  }
0x4f: {  	_ =	swait.ge [sflag:s29], $0x8000  }
0x50: {  	[sflag:s29] =	ssyncset.done $0x0  }
0x51: {  	[sflag:s29] =	ssyncadd.s32 $0xFFFF8000  }
0x52: {  	_ =	swait.ge [sflag:s29], $0x8000  }
0x53: {  	[sflag:s29] =	ssyncset.done $0x0  }
0x54: {  	[sflag:s29] =	ssyncadd.s32 $0xFFFF8000  }
0x55: {  	_ =	swait.ge [sflag:s29], $0x8000  }
0x56: {  	[sflag:s29] =	ssyncset.done $0x0  }
0x57: {  	[sflag:s29] =	ssyncadd.s32 $0xFFFF8000  }
0x58: {  	_ =	swait.ge [sflag:s29], $0x8000  }
0x59: {  	[sflag:s29] =	ssyncset.done $0x0  }
0x5a: {  	[sflag:s29] =	ssyncadd.s32 $0xFFFF8000  }
0x5b: {  	_ =	swait.ge [sflag:s29], $0x8000  }
0x5c: {  	[sflag:s29] =	ssyncset.done $0x0  }
0x5d: {  	[sflag:s29] =	ssyncadd.s32 $0xFFFF8000  }
0x5e: {  	_ =	swait.ge [sflag:s29], $0x8000  }
0x5f: {  	[sflag:s29] =	ssyncset.done $0x0  }
0x60: {  	[sflag:s29] =	ssyncadd.s32 $0xFFFF8000  }
0x61: {  	_ =	swait.ge [sflag:s29], $0x8000  }
0x62: {  	[sflag:s29] =	ssyncset.done $0x0  }
0x63: {  	[sflag:s29] =	ssyncadd.s32 $0xFFFF8000  }
0x64: {  	_ =	swait.ge [sflag:s29], $0x8000  }
0x65: {  	[sflag:s29] =	ssyncset.done $0x0  }
0x66: {  	[sflag:s29] =	ssyncadd.s32 $0xFFFF8000  }
0x67: {  	_ =	swait.ge [sflag:s29], $0x8000  }
0x68: {  	[sflag:s29] =	ssyncset.done $0x0  }
0x69: {  	[sflag:s29] =	ssyncadd.s32 $0xFFFF8000  }
0x6a: {  	_ =	swait.ge [sflag:s29], $0x8000  }
0x6b: {  	[sflag:s29] =	ssyncset.done $0x0  }
0x6c: {  	[sflag:s29] =	ssyncadd.s32 $0xFFFF8000  }
0x6d: {  	_ =	swait.ge [sflag:s29], $0x8000  }
0x6e: {  	[sflag:s29] =	ssyncset.done $0x0  }
0x6f: {  	[sflag:s29] =	ssyncadd.s32 $0xFFFF8000  }
0x70: {  	_ =	swait.ge [sflag:s29], $0x8000  }
0x71: {  	[sflag:s29] =	ssyncset.done $0x0  }
0x72: {  	[sflag:s29] =	ssyncadd.s32 $0xFFFF8000  }
0x73: {  	[bflag:$0x0] =	sbarrier.arrive $0xFFFF  }
0x74: {  	v1 =	vld @!p1 [tilespmem:$0x0]  }
0x75: {  	v2 =	vld @!p1 [tilespmem:$0x80]  }
0x76: {  	v4 =	vld @!p1 [tilespmem:$0x100]  }
0x77: {  	v3 =	vlaneseq.u32 @!p1  }
0x78: {  	v3 =	vmul.u32 @!p1 $0x80000, v3  }
0x79: {  	v1 =	vshll.u32 @!p1 v1, $0x9  }
0x7a: {  	v1 =	vadd.s32 @!p1 v3, v1  }
0x7b: {  	[tilespmem:$0x8180] =	vst @!p1 v4;
	v1 =	vadd.s32 @!p1 v2, v1  }
0x7c: {  	s0 =	simm.s32 @!p1 $0x10;
	s31 =	simm.s32 @!p1 $0x8200;
	s4 =	simm.s32 @!p1 $0x8180;
	[tilespmem:$0x8200] =	vst @!p1 v1  }
0x7d: {  	[hbm4b:s6+s0] =	stream.indirect.scatter @!p1 [tilespmem:s4], [sflag:$0x2], $0x1, s31, s0, $0xb8;
	[tilespmem:$0x8280] =	vst v63  }
0x7e: {  	s0 =	simm.s32 @!p1 $0x2  }
0x7f: {  	_ =	swait.ge @!p1 [sflag:s0], $0x10  }
0x80: {  	[sflag:s0] =	ssyncset.done @!p1 $0x0  }
0x81: {  	[sflag:s0] =	ssyncadd.s32 @!p1 $0xFFFFFFF0  }
0x82: {  	v1 =	vld @p0 [tilespmem:$0x10]  }
0x83: {  	v2 =	vld @p0 [tilespmem:$0x90]  }
0x84: {  	v3 =	vlaneseq.u32 @p0;
	v4 =	vld @p0 [tilespmem:$0x110]  }
0x85: {  	v3 =	vmul.u32 @p0 $0x80000, v3;
	_ =	sdelay $0x1  }
0x86: {  	v3 =	vor.u32 @p0 $0x800000, v3;
	v1 =	vshll.u32 @p0 v1, $0x9  }
0x87: {  	s30 =	sadd.s32 $0x1, s30;
	v1 =	vadd.s32 @p0 v3, v1  }
0x88: {  	p2 =	sne.s32 s30, s23;
	[tilespmem:$0x8180] =	vst @p0 v4;
	v1 =	vadd.s32 @p0 v2, v1  }
0x89: {  	s4 =	simm.s32 @p0 $0x8200;
	s31 =	simm.s32 @p0 $0x8180;
	s0 =	simm.s32 @p0 $0x10;
	[tilespmem:$0x8200] =	vst @p0 v1  }
0x8a: {  	[hbm4b:s6+s0] =	stream.indirect.scatter @p0 [tilespmem:s31], [sflag:$0x2], $0x1, s4, s0, $0xb8;
	[tilespmem:$0x8280] =	vst v63  }
.Ltmp1:
0x8b: {  	_ = 	snop;
	(pc) =	sbr.rel @p2 .LBB2_1-.Ltmp1, $4  }
0x8c: {  	s0 =	simm.s32 @p0 $0x2  }
0x8d: {  	_ =	swait.ge @p0 [sflag:s0], $0x10  }
0x8e: {  	[sflag:s0] =	ssyncset.done @p0 $0x0  }
0x8f: {  	[sflag:s0] =	ssyncadd.s32 @p0 $0xFFFFFFF0  }
0x90: {  	_ =	sfence.sel $0x180000  }
0x91: {  	[bflag:$0x0] =	sbarrier.arrive $0xFFFF  }
0x92: {  	_ =	strace $0x90000047  }
0x93: {  	s0 =	stileid.u32;
	[bflag:$0x2] =	sbarrier.arrive $0xFFFF  }
0x94: {  	p0 =	sne.s32 s0, $0x0;
	s0 =	rddreg [dreg:$0x4]  }
0x95: {  	s0 =	sadd.s32 @!p0 $0x100000, s0  }
0x96: {  	[sflag:s0] =	ssyncadd.tile.s32 @!p0 $0x1;
	_ =	shalt  }
.Lfunc_end2:
_tile_overlayer_lowered:
.L_overlay_start_2:
0x97: {  	(tag) =	ssettag $0x2  }
0x98: {  	s0 =	rddreg [dreg:$0x0];
	s2 =	stileid.u32  }
0x99: {  	s1 =	rddreg [dreg:$0x1];
	p0 =	sne.s32 s2, $0x0  }
0x9a: {  	s3 =	rddreg [dreg:$0x2];
	[bflag:$0x3] =	sbarrier.arrive $0xFFFF;
	s2 =	simm.s32 @!p0 $0x1C03  }
0x9b: {  	[timem:s3], [sflag:s2] =	dma.local @!p0 [hbm:s0], s1  }
0x9c: {  	s0 =	simm.s32 @!p0 $0x3  }
0x9d: {  	_ =	swait.ge @!p0 [sflag:s0], s1  }
0x9e: {  	s1 =	ssub.s32 @!p0 $0x0, s1;
	[sflag:s0] =	ssyncset.done @!p0 $0x0  }
0x9f: {  	[sflag:s0] =	ssyncadd.s32 @!p0 s1  }
0xa0: {  	[bflag:$0x3] =	sbarrier.arrive $0xFFFF  }
0xa1: {  	_ =	shalt  }

</sc_bundles>
